<compile_context>
chip_gen: v7x
topology: tpu7x:2x2x1
jax: 0.10.2.dev20260603
libtpu: 0.0.44.dev20260713+nightly
codegen_flags: <defaults>
</compile_context>

<pallas_src>
import functools

import jax
import jax.numpy as jnp
from jax import lax
from jax.experimental import pallas as pl
from jax.experimental.pallas import tpu as pltpu
from jax.experimental.pallas import tpu_sc as plsc

_NC = 2
_NS = 16
_NW = _NC * _NS
_CHUNK = 128


def _sc_agg_kernel(nch, x_hbm, ei_hbm, zeros_hbm, out_hbm,
                    src_v, dst_v, buf0, buf1, acc, sem0, sem1):
    ch = ei_hbm.shape[1] // _NW
    hch = src_v.shape[0]
    rpt = zeros_hbm.shape[0]
    c = lax.axis_index("c")
    s = lax.axis_index("s")
    wid = s * _NC + c

    pltpu.sync_copy(zeros_hbm, acc.at[pl.ds(s * rpt, rpt)])
    plsc.subcore_barrier()

    cnt = jnp.clip(nch - wid * ch, 0, ch)

    for h in range(ch // hch):
        off = wid * ch + h * hch
        m = jnp.clip(cnt - h * hch, 0, hch)

        @pl.when(m > 0)
        def _():
            pltpu.sync_copy(ei_hbm.at[0, pl.ds(off, hch)], src_v)
            pltpu.sync_copy(ei_hbm.at[1, pl.ds(off, hch)], dst_v)

            pltpu.async_copy(x_hbm.at[src_v.at[0]], buf0, sem0)

            def body(i, _):
                j = i * 2

                @pl.when(j + 1 < m)
                def _():
                    pltpu.async_copy(x_hbm.at[src_v.at[j + 1]], buf1, sem1)

                pltpu.make_async_copy(x_hbm.at[src_v.at[j]], buf0,
                                      sem0).wait()
                pltpu.sync_copy(buf0, acc.at[dst_v.at[j]], add=True)

                @pl.when(j + 2 < m)
                def _():
                    pltpu.async_copy(x_hbm.at[src_v.at[j + 2]], buf0, sem0)

                @pl.when(j + 1 < m)
                def _():
                    pltpu.make_async_copy(x_hbm.at[src_v.at[j + 1]], buf1,
                                          sem1).wait()
                    pltpu.sync_copy(buf1, acc.at[dst_v.at[j + 1]], add=True)
                return _

            lax.fori_loop(0, (m + 1) // 2, body, None)

    plsc.subcore_barrier()

    pltpu.sync_copy(acc.at[pl.ds(s * rpt, rpt)],
                    out_hbm.at[c, pl.ds(s * rpt, rpt)])


def _mlp_body(gate_ref, x_ref, agg_ref, w1_ref, b1_ref, w2_ref, b2_ref,
              y_ref):
    h = x_ref[...] + agg_ref[0] + agg_ref[1]
    hid = jnp.dot(h, w1_ref[...], preferred_element_type=jnp.float32)
    hid = jnp.maximum(hid + b1_ref[...], 0.0)
    y = jnp.dot(hid, w2_ref[...], preferred_element_type=jnp.float32)
    y_ref[...] = (y + b2_ref[...]) * gate_ref[0]


def kernel(x, edge_index, W1, b1, W2, b2, alpha):
    n, d = x.shape
    e = edge_index.shape[1]

    nch = e // _CHUNK
    ch = 16 * (-(-nch // (_NW * 16)))
    rows_pad = _NW * ch
    rpt = 8 * (-(-n // (_NS * 8)))
    n_pad = rpt * _NS
    while n_pad - n < 128:
        rpt += 8
        n_pad = rpt * _NS

    br = 512
    n_dummy = n_pad - n

    def _reformat_body(ei_ref, out_ref):
        i = pl.program_id(0)
        row = i * br + jax.lax.broadcasted_iota(jnp.int32, (br, _CHUNK), 0)
        flat = row * _CHUNK + jax.lax.broadcasted_iota(
            jnp.int32, (br, _CHUNK), 1)
        real = row < nch
        out_ref[0] = jnp.where(real, ei_ref[0], flat % n)
        out_ref[1] = jnp.where(real, ei_ref[1], n + flat % n_dummy)

    ei = pl.pallas_call(
        _reformat_body,
        grid=(rows_pad // br,),
        in_specs=[pl.BlockSpec((2, br, _CHUNK), lambda i: (0, i, 0))],
        out_specs=pl.BlockSpec((2, br, _CHUNK), lambda i: (0, i, 0)),
        out_shape=jax.ShapeDtypeStruct((2, rows_pad, _CHUNK), jnp.int32),
    )(edge_index.reshape(2, nch, _CHUNK))

    zeros_init = jnp.zeros((rpt, d), jnp.float32)

    hch = ch // 2
    sc_agg = pl.kernel(
        functools.partial(_sc_agg_kernel, nch),
        out_type=jax.ShapeDtypeStruct((_NC, n_pad, d), jnp.float32),
        mesh=plsc.VectorSubcoreMesh(core_axis_name="c", subcore_axis_name="s"),
        scratch_types=[
            pltpu.VMEM((hch, _CHUNK), jnp.int32),
            pltpu.VMEM((hch, _CHUNK), jnp.int32),
            pltpu.VMEM((_CHUNK, d), jnp.float32),
            pltpu.VMEM((_CHUNK, d), jnp.float32),
            pltpu.VMEM_SHARED((n_pad, d), jnp.float32),
            pltpu.SemaphoreType.DMA,
            pltpu.SemaphoreType.DMA,
        ],
    )
    agg2 = sc_agg(x, ei, zeros_init)

    gate = jax.nn.sigmoid(alpha)

    bn = 2000
    grid = -(-n // bn)
    y = pl.pallas_call(
        _mlp_body,
        grid=(grid,),
        in_specs=[
            pl.BlockSpec(memory_space=pltpu.SMEM),
            pl.BlockSpec((bn, d), lambda i: (i, 0)),
            pl.BlockSpec((_NC, bn, d), lambda i: (0, i, 0)),
            pl.BlockSpec((d, d), lambda i: (0, 0)),
            pl.BlockSpec((1, d), lambda i: (0, 0)),
            pl.BlockSpec((d, d), lambda i: (0, 0)),
            pl.BlockSpec((1, d), lambda i: (0, 0)),
        ],
        out_specs=pl.BlockSpec((bn, d), lambda i: (i, 0)),
        out_shape=jax.ShapeDtypeStruct((n, d), jnp.float32),
    )(gate, x, agg2, W1, b1.reshape(1, d), W2, b2.reshape(1, d))

    return (y, gate)

# --- scband reference (transcript-rebuilt; emitter-appended) ---
"""Pipeline reference for scband-gated-ginlayer-64682207478383 (READ-ONLY COPY).

The authoritative reference and input builder live on the scoring server;
editing this copy changes nothing except your own understanding.
"""

import jax, jax.numpy as jnp
import numpy as np

N, D_IN, D_OUT, E = 10000, 128, 128, 320000

def setup_inputs(seed: int = 0) -> dict:
    key = jax.random.key(seed)
    ks = jax.random.split(key, 7)
    x = jax.random.normal(ks[0], (N, D_IN), dtype=jnp.float32)
    edge_index = jax.random.randint(ks[1], (2, E), 0, N, dtype=jnp.int32)
    W1 = jax.random.normal(ks[2], (D_IN, D_OUT), dtype=jnp.float32) * 0.05
    b1 = jnp.zeros((D_OUT,), dtype=jnp.float32)
    W2 = jax.random.normal(ks[3], (D_OUT, D_OUT), dtype=jnp.float32) * 0.05
    b2 = jnp.zeros((D_OUT,), dtype=jnp.float32)
    alpha = jnp.zeros((1,), dtype=jnp.float32)
    return {"x": x, "edge_index": edge_index, "W1": W1, "b1": b1, "W2": W2, "b2": b2, "alpha": alpha}

def reference(x, edge_index, W1, b1, W2, b2, alpha):
    # GINConv: out = MLP((1 + eps) * x + sum_{j in N(i)} x_j), default eps = 0
    src = edge_index[0]
    dst = edge_index[1]
    msgs = jnp.take(x, src, axis=0)                      # gather (SparseCore)
    agg = jax.ops.segment_sum(msgs, dst, num_segments=x.shape[0])  # scatter-add
    h = x + agg
    hidden = jnp.maximum(h @ W1 + b1, 0.0)               # Linear + ReLU
    y = hidden @ W2 + b2                                 # Linear
    gate = jax.nn.sigmoid(alpha)
    return (gate * y, gate)

if __name__ == "__main__":
    import jax
    _d = setup_inputs()
    print(jax.jit(kernel)(*tuple(_d.values())))

</pallas_src>

<mosaic_0001>
#map = affine_map<(d0, d1) -> (0, 0)>
#map1 = affine_map<(d0, d1) -> (0, 0, 0)>
module attributes {stable_mosaic.version = 14 : i64} {
  func.func @_sc_agg_kernel(%arg0: i32, %arg1: i32, %arg2: memref<10000x128xf32, #tpu.memory_space<hbm>>, %arg3: memref<2x2560x128xi32, #tpu.memory_space<hbm>>, %arg4: memref<640x128xf32, #tpu.memory_space<hbm>>, %arg5: memref<2x10240x128xf32, #tpu.memory_space<hbm>>, %arg6: memref<40x128xi32, #tpu.memory_space<vmem>>, %arg7: memref<40x128xi32, #tpu.memory_space<vmem>>, %arg8: memref<128x128xf32, #tpu.memory_space<vmem>>, %arg9: memref<128x128xf32, #tpu.memory_space<vmem>>, %arg10: memref<10240x128xf32, #tpu.memory_space<vmem_shared>>, %arg11: memref<!tpu.dma_semaphore, #tpu.memory_space<semaphore_mem>>, %arg12: memref<!tpu.dma_semaphore, #tpu.memory_space<semaphore_mem>>) attributes {dimension_semantics = [#tpu.dimension_semantics<core_parallel>, #tpu.dimension_semantics<subcore_parallel>], iteration_bounds = array<i64: 2, 16>, scalar_prefetch = 0 : i64, scratch_operands = 7 : i64, tpu.core_type = #tpu.core_type<sc_vector_subcore>, window_params = [{transform_indices = #map}, {transform_indices = #map1}, {transform_indices = #map}, {transform_indices = #map1}]} {
    %mul3A = arith.constant 2 : i32
    %mul3A_0 = arith.muli %arg1, %mul3A : i32
    %add3A = arith.addi %mul3A_0, %arg0 : i32
    %mul3A_1 = arith.constant 640 : i32
    %mul3A_2 = arith.muli %arg1, %mul3A_1 : i32
    "tpu.region"() ({
      %run_scoped3A = tpu.sem_alloc : memref<!tpu.dma_semaphore, #tpu.memory_space<semaphore_mem>>
      %dma_start3A = arith.constant 0 : i32
      %dma_start3A_39 = tpu.memref_slice %arg10[%mul3A_2, %dma_start3A] : memref<10240x128xf32, #tpu.memory_space<vmem_shared>> -> memref<640x128xf32, #tpu.memory_space<vmem_shared>>
      tpu.enqueue_dma source(%arg4 : memref<640x128xf32, #tpu.memory_space<hbm>>) target(%dma_start3A_39 : memref<640x128xf32, #tpu.memory_space<vmem_shared>>) target_semaphore(%run_scoped3A : memref<!tpu.dma_semaphore, #tpu.memory_space<semaphore_mem>>)
      %dma_wait3A = arith.constant 0 : i32
      %dma_wait3A_40 = tpu.memref_slice %arg10[%mul3A_2, %dma_wait3A] : memref<10240x128xf32, #tpu.memory_space<vmem_shared>> -> memref<640x128xf32, #tpu.memory_space<vmem_shared>>
      tpu.wait_dma2 semaphore(%run_scoped3A : memref<!tpu.dma_semaphore, #tpu.memory_space<semaphore_mem>>) src(%arg4 : memref<640x128xf32, #tpu.memory_space<hbm>>) dst(%dma_wait3A_40 : memref<640x128xf32, #tpu.memory_space<vmem_shared>>)
      tpu.yield
    }) : () -> ()
    %barrier3A = arith.constant 0 : index
    tpu.barrier barrier_id(%barrier3A)
    %mul3A_3 = arith.constant 80 : i32
    %mul3A_4 = arith.muli %add3A, %mul3A_3 : i32
    %sub3A = arith.constant 2500 : i32
    %sub3A_5 = arith.subi %sub3A, %mul3A_4 : i32
    %jit3A = arith.constant 0 : i32
    %jit3A_6 = arith.constant 80 : i32
    %max3A = arith.maxsi %jit3A, %sub3A_5 : i32
    %min3A = arith.minsi %jit3A_6, %max3A : i32
    %mul3A_7 = arith.constant 80 : i32
    %mul3A_8 = arith.muli %add3A, %mul3A_7 : i32
    %add3A_9 = arith.constant 0 : i32
    %add3A_10 = arith.addi %mul3A_8, %add3A_9 : i32
    %sub3A_11 = arith.constant 0 : i32
    %sub3A_12 = arith.subi %min3A, %sub3A_11 : i32
    %jit3A_13 = arith.constant 0 : i32
    %jit3A_14 = arith.constant 40 : i32
    %max3A_15 = arith.maxsi %jit3A_13, %sub3A_12 : i32
    %min3A_16 = arith.minsi %jit3A_14, %max3A_15 : i32
    %gt3A = arith.constant 0 : i32
    %gt3A_17 = arith.cmpi sgt, %min3A_16, %gt3A : i32
    %convert_element_type3A = arith.extui %gt3A_17 : i1 to i32
    %cond3A = arith.constant 0 : i32
    %cond3A_18 = arith.cmpi ne, %convert_element_type3A, %cond3A : i32
    scf.if %cond3A_18 {
      %run_scoped3A = arith.constant 0 : i32
      "tpu.region"() ({
        %run_scoped3A_74 = tpu.sem_alloc : memref<!tpu.dma_semaphore, #tpu.memory_space<semaphore_mem>>
        %dma_start3A_75 = arith.constant 0 : i32
        %dma_start3A_76 = tpu.memref_slice %arg3[%run_scoped3A, %add3A_10, %dma_start3A_75] : memref<2x2560x128xi32, #tpu.memory_space<hbm>> -> memref<1x40x128xi32, #tpu.memory_space<hbm>>
        %dma_start3A_77 = tpu.memref_squeeze %dma_start3A_76 : memref<1x40x128xi32, #tpu.memory_space<hbm>> -> memref<40x128xi32, #tpu.memory_space<hbm>>
        %dma_start3A_78 = arith.constant 0 : i32
        %dma_start3A_79 = tpu.memref_slice %arg3[%run_scoped3A, %add3A_10, %dma_start3A_78] : memref<2x2560x128xi32, #tpu.memory_space<hbm>> -> memref<1x40x128xi32, #tpu.memory_space<hbm>>
        %dma_start3A_80 = tpu.memref_squeeze %dma_start3A_79 : memref<1x40x128xi32, #tpu.memory_space<hbm>> -> memref<40x128xi32, #tpu.memory_space<hbm>>
        tpu.enqueue_dma source(%dma_start3A_80 : memref<40x128xi32, #tpu.memory_space<hbm>>) target(%arg6 : memref<40x128xi32, #tpu.memory_space<vmem>>) target_semaphore(%run_scoped3A_74 : memref<!tpu.dma_semaphore, #tpu.memory_space<semaphore_mem>>)
        %dma_wait3A = arith.constant 0 : i32
        %dma_wait3A_81 = tpu.memref_slice %arg3[%run_scoped3A, %add3A_10, %dma_wait3A] : memref<2x2560x128xi32, #tpu.memory_space<hbm>> -> memref<1x40x128xi32, #tpu.memory_space<hbm>>
        %dma_wait3A_82 = tpu.memref_squeeze %dma_wait3A_81 : memref<1x40x128xi32, #tpu.memory_space<hbm>> -> memref<40x128xi32, #tpu.memory_space<hbm>>
        %dma_wait3A_83 = arith.constant 0 : i32
        %dma_wait3A_84 = tpu.memref_slice %arg3[%run_scoped3A, %add3A_10, %dma_wait3A_83] : memref<2x2560x128xi32, #tpu.memory_space<hbm>> -> memref<1x40x128xi32, #tpu.memory_space<hbm>>
        %dma_wait3A_85 = tpu.memref_squeeze %dma_wait3A_84 : memref<1x40x128xi32, #tpu.memory_space<hbm>> -> memref<40x128xi32, #tpu.memory_space<hbm>>
        tpu.wait_dma2 semaphore(%run_scoped3A_74 : memref<!tpu.dma_semaphore, #tpu.memory_space<semaphore_mem>>) src(%dma_wait3A_85 : memref<40x128xi32, #tpu.memory_space<hbm>>) dst(%arg6 : memref<40x128xi32, #tpu.memory_space<vmem>>)
        tpu.yield
      }) : () -> ()
      %run_scoped3A_39 = arith.constant 1 : i32
      "tpu.region"() ({
        %run_scoped3A_74 = tpu.sem_alloc : memref<!tpu.dma_semaphore, #tpu.memory_space<semaphore_mem>>
        %dma_start3A_75 = arith.constant 0 : i32
        %dma_start3A_76 = tpu.memref_slice %arg3[%run_scoped3A_39, %add3A_10, %dma_start3A_75] : memref<2x2560x128xi32, #tpu.memory_space<hbm>> -> memref<1x40x128xi32, #tpu.memory_space<hbm>>
        %dma_start3A_77 = tpu.memref_squeeze %dma_start3A_76 : memref<1x40x128xi32, #tpu.memory_space<hbm>> -> memref<40x128xi32, #tpu.memory_space<hbm>>
        %dma_start3A_78 = arith.constant 0 : i32
        %dma_start3A_79 = tpu.memref_slice %arg3[%run_scoped3A_39, %add3A_10, %dma_start3A_78] : memref<2x2560x128xi32, #tpu.memory_space<hbm>> -> memref<1x40x128xi32, #tpu.memory_space<hbm>>
        %dma_start3A_80 = tpu.memref_squeeze %dma_start3A_79 : memref<1x40x128xi32, #tpu.memory_space<hbm>> -> memref<40x128xi32, #tpu.memory_space<hbm>>
        tpu.enqueue_dma source(%dma_start3A_80 : memref<40x128xi32, #tpu.memory_space<hbm>>) target(%arg7 : memref<40x128xi32, #tpu.memory_space<vmem>>) target_semaphore(%run_scoped3A_74 : memref<!tpu.dma_semaphore, #tpu.memory_space<semaphore_mem>>)
        %dma_wait3A = arith.constant 0 : i32
        %dma_wait3A_81 = tpu.memref_slice %arg3[%run_scoped3A_39, %add3A_10, %dma_wait3A] : memref<2x2560x128xi32, #tpu.memory_space<hbm>> -> memref<1x40x128xi32, #tpu.memory_space<hbm>>
        %dma_wait3A_82 = tpu.memref_squeeze %dma_wait3A_81 : memref<1x40x128xi32, #tpu.memory_space<hbm>> -> memref<40x128xi32, #tpu.memory_space<hbm>>
        %dma_wait3A_83 = arith.constant 0 : i32
        %dma_wait3A_84 = tpu.memref_slice %arg3[%run_scoped3A_39, %add3A_10, %dma_wait3A_83] : memref<2x2560x128xi32, #tpu.memory_space<hbm>> -> memref<1x40x128xi32, #tpu.memory_space<hbm>>
        %dma_wait3A_85 = tpu.memref_squeeze %dma_wait3A_84 : memref<1x40x128xi32, #tpu.memory_space<hbm>> -> memref<40x128xi32, #tpu.memory_space<hbm>>
        tpu.wait_dma2 semaphore(%run_scoped3A_74 : memref<!tpu.dma_semaphore, #tpu.memory_space<semaphore_mem>>) src(%dma_wait3A_85 : memref<40x128xi32, #tpu.memory_space<hbm>>) dst(%arg7 : memref<40x128xi32, #tpu.memory_space<vmem>>)
        tpu.yield
      }) : () -> ()
      %dma_start3A = arith.constant 0 : i32
      %dma_start3A_40 = arith.constant 0 : i32
      %dma_start3A_41 = tpu.memref_slice %arg6[%dma_start3A, %dma_start3A_40] : memref<40x128xi32, #tpu.memory_space<vmem>> -> memref<1x128xi32, #tpu.memory_space<vmem>>
      %dma_start3A_42 = tpu.memref_squeeze %dma_start3A_41 : memref<1x128xi32, #tpu.memory_space<vmem>> -> memref<128xi32, #tpu.memory_space<vmem>>
      %dma_start3A_43 = arith.constant 0 : i32
      %dma_start3A_44 = arith.constant 0 : i32
      %dma_start3A_45 = tpu.memref_slice %arg2[%dma_start3A_43, %dma_start3A_44] : memref<10000x128xf32, #tpu.memory_space<hbm>> -> memref<10000x128xf32, #tpu.memory_space<hbm>>
      tpu.enqueue_indirect_dma source(%dma_start3A_45 : memref<10000x128xf32, #tpu.memory_space<hbm>>) target(%arg8 : memref<128x128xf32, #tpu.memory_space<vmem>>) offsets(%dma_start3A_42 : memref<128xi32, #tpu.memory_space<vmem>>) semaphore(%arg11 : memref<!tpu.dma_semaphore, #tpu.memory_space<semaphore_mem>>)
      %add3A_46 = arith.constant 1 : i32
      %add3A_47 = arith.addi %min3A_16, %add3A_46 : i32
      %jit3A_48 = arith.constant 2 : i32
      %div3A = arith.divsi %add3A_47, %jit3A_48 : i32
      %sign3A = arith.constant 0 : i32
      %sign3A_49 = arith.cmpi sgt, %add3A_47, %sign3A : i32
      %sign3A_50 = arith.extui %sign3A_49 : i1 to i32
      %sign3A_51 = arith.constant 0 : i32
      %sign3A_52 = arith.cmpi slt, %add3A_47, %sign3A_51 : i32
      %sign3A_53 = arith.extui %sign3A_52 : i1 to i32
      %sign3A_54 = arith.subi %sign3A_50, %sign3A_53 : i32
      %sign3A_55 = arith.constant 0 : i32
      %sign3A_56 = arith.cmpi sgt, %jit3A_48, %sign3A_55 : i32
      %sign3A_57 = arith.extui %sign3A_56 : i1 to i32
      %sign3A_58 = arith.constant 0 : i32
      %sign3A_59 = arith.cmpi slt, %jit3A_48, %sign3A_58 : i32
      %sign3A_60 = arith.extui %sign3A_59 : i1 to i32
      %sign3A_61 = arith.subi %sign3A_57, %sign3A_60 : i32
      %ne3A = arith.cmpi ne, %sign3A_54, %sign3A_61 : i32
      %rem3A = arith.remsi %add3A_47, %jit3A_48 : i32
      %ne3A_62 = arith.constant 0 : i32
      %ne3A_63 = arith.cmpi ne, %rem3A, %ne3A_62 : i32
      %and3A = arith.andi %ne3A, %ne3A_63 : i1
      %sub3A_64 = arith.constant 1 : i32
      %sub3A_65 = arith.subi %div3A, %sub3A_64 : i32
      %select_n3A = arith.select %and3A, %sub3A_65, %div3A : i32
      %while3A = arith.constant 0 : i32
      %while3A_66 = arith.subi %select_n3A, %while3A : i32
      %while3A_67 = arith.addi %while3A, %while3A_66 : i32
      %while3A_68 = arith.constant 1 : i32
      %while3A_69 = arith.divsi %while3A_66, %while3A_68 : i32
      %while3A_70 = arith.muli %while3A_69, %while3A_68 : i32
      %while3A_71 = arith.addi %while3A, %while3A_70 : i32
      %while3A_72 = arith.constant 1 : i32
      scf.for %while3A_74 = %while3A to %while3A_71 step %while3A_72  : i32 {
        %mul3A_75 = arith.constant 2 : i32
        %mul3A_76 = arith.muli %while3A_74, %mul3A_75 : i32
        %add3A_77 = arith.constant 1 : i32
        %add3A_78 = arith.addi %mul3A_76, %add3A_77 : i32
        %lt3A = arith.cmpi slt, %add3A_78, %min3A_16 : i32
        %convert_element_type3A_79 = arith.extui %lt3A : i1 to i32
        %cond3A_80 = arith.constant 0 : i32
        %cond3A_81 = arith.cmpi ne, %convert_element_type3A_79, %cond3A_80 : i32
        scf.if %cond3A_81 {
          %add3A_99 = arith.constant 1 : i32
          %add3A_100 = arith.addi %mul3A_76, %add3A_99 : i32
          %dma_start3A_101 = arith.constant 0 : i32
          %dma_start3A_102 = tpu.memref_slice %arg6[%add3A_100, %dma_start3A_101] : memref<40x128xi32, #tpu.memory_space<vmem>> -> memref<1x128xi32, #tpu.memory_space<vmem>>
          %dma_start3A_103 = tpu.memref_squeeze %dma_start3A_102 : memref<1x128xi32, #tpu.memory_space<vmem>> -> memref<128xi32, #tpu.memory_space<vmem>>
          %dma_start3A_104 = arith.constant 0 : i32
          %dma_start3A_105 = arith.constant 0 : i32
          %dma_start3A_106 = tpu.memref_slice %arg2[%dma_start3A_104, %dma_start3A_105] : memref<10000x128xf32, #tpu.memory_space<hbm>> -> memref<10000x128xf32, #tpu.memory_space<hbm>>
          tpu.enqueue_indirect_dma source(%dma_start3A_106 : memref<10000x128xf32, #tpu.memory_space<hbm>>) target(%arg9 : memref<128x128xf32, #tpu.memory_space<vmem>>) offsets(%dma_start3A_103 : memref<128xi32, #tpu.memory_space<vmem>>) semaphore(%arg12 : memref<!tpu.dma_semaphore, #tpu.memory_space<semaphore_mem>>)
        } else {
        }
        %dma_wait3A = arith.constant 0 : i32
        %dma_wait3A_82 = tpu.memref_slice %arg6[%mul3A_76, %dma_wait3A] : memref<40x128xi32, #tpu.memory_space<vmem>> -> memref<1x128xi32, #tpu.memory_space<vmem>>
        %dma_wait3A_83 = tpu.memref_squeeze %dma_wait3A_82 : memref<1x128xi32, #tpu.memory_space<vmem>> -> memref<128xi32, #tpu.memory_space<vmem>>
        %dma_wait3A_84 = arith.constant 0 : i32
        %dma_wait3A_85 = arith.constant 0 : i32
        %dma_wait3A_86 = tpu.memref_slice %arg2[%dma_wait3A_84, %dma_wait3A_85] : memref<10000x128xf32, #tpu.memory_space<hbm>> -> memref<10000x128xf32, #tpu.memory_space<hbm>>
        tpu.wait_indirect_dma semaphore(%arg11 : memref<!tpu.dma_semaphore, #tpu.memory_space<semaphore_mem>>) src(%dma_wait3A_86 : memref<10000x128xf32, #tpu.memory_space<hbm>>) dst(%arg8 : memref<128x128xf32, #tpu.memory_space<vmem>>)
        "tpu.region"() ({
          %run_scoped3A_99 = tpu.sem_alloc : memref<!tpu.dma_semaphore, #tpu.memory_space<semaphore_mem>>
          %dma_start3A_100 = arith.constant 0 : i32
          %dma_start3A_101 = tpu.memref_slice %arg7[%mul3A_76, %dma_start3A_100] : memref<40x128xi32, #tpu.memory_space<vmem>> -> memref<1x128xi32, #tpu.memory_space<vmem>>
          %dma_start3A_102 = tpu.memref_squeeze %dma_start3A_101 : memref<1x128xi32, #tpu.memory_space<vmem>> -> memref<128xi32, #tpu.memory_space<vmem>>
          %dma_start3A_103 = arith.constant 0 : i32
          %dma_start3A_104 = arith.constant 0 : i32
          %dma_start3A_105 = tpu.memref_slice %arg10[%dma_start3A_103, %dma_start3A_104] : memref<10240x128xf32, #tpu.memory_space<vmem_shared>> -> memref<10240x128xf32, #tpu.memory_space<vmem_shared>>
          tpu.enqueue_indirect_dma source(%arg8 : memref<128x128xf32, #tpu.memory_space<vmem>>) target(%dma_start3A_105 : memref<10240x128xf32, #tpu.memory_space<vmem_shared>>) offsets(%dma_start3A_102 : memref<128xi32, #tpu.memory_space<vmem>>) semaphore(%run_scoped3A_99 : memref<!tpu.dma_semaphore, #tpu.memory_space<semaphore_mem>>) {add = true}
          %dma_wait3A_106 = arith.constant 0 : i32
          %dma_wait3A_107 = tpu.memref_slice %arg7[%mul3A_76, %dma_wait3A_106] : memref<40x128xi32, #tpu.memory_space<vmem>> -> memref<1x128xi32, #tpu.memory_space<vmem>>
          %dma_wait3A_108 = tpu.memref_squeeze %dma_wait3A_107 : memref<1x128xi32, #tpu.memory_space<vmem>> -> memref<128xi32, #tpu.memory_space<vmem>>
          %dma_wait3A_109 = arith.constant 0 : i32
          %dma_wait3A_110 = arith.constant 0 : i32
          %dma_wait3A_111 = tpu.memref_slice %arg10[%dma_wait3A_109, %dma_wait3A_110] : memref<10240x128xf32, #tpu.memory_space<vmem_shared>> -> memref<10240x128xf32, #tpu.memory_space<vmem_shared>>
          tpu.wait_indirect_dma semaphore(%run_scoped3A_99 : memref<!tpu.dma_semaphore, #tpu.memory_space<semaphore_mem>>) src(%arg8 : memref<128x128xf32, #tpu.memory_space<vmem>>) dst(%dma_wait3A_111 : memref<10240x128xf32, #tpu.memory_space<vmem_shared>>)
          tpu.yield
        }) : () -> ()
        %add3A_87 = arith.constant 2 : i32
        %add3A_88 = arith.addi %mul3A_76, %add3A_87 : i32
        %lt3A_89 = arith.cmpi slt, %add3A_88, %min3A_16 : i32
        %convert_element_type3A_90 = arith.extui %lt3A_89 : i1 to i32
        %cond3A_91 = arith.constant 0 : i32
        %cond3A_92 = arith.cmpi ne, %convert_element_type3A_90, %cond3A_91 : i32
        scf.if %cond3A_92 {
          %add3A_99 = arith.constant 2 : i32
          %add3A_100 = arith.addi %mul3A_76, %add3A_99 : i32
          %dma_start3A_101 = arith.constant 0 : i32
          %dma_start3A_102 = tpu.memref_slice %arg6[%add3A_100, %dma_start3A_101] : memref<40x128xi32, #tpu.memory_space<vmem>> -> memref<1x128xi32, #tpu.memory_space<vmem>>
          %dma_start3A_103 = tpu.memref_squeeze %dma_start3A_102 : memref<1x128xi32, #tpu.memory_space<vmem>> -> memref<128xi32, #tpu.memory_space<vmem>>
          %dma_start3A_104 = arith.constant 0 : i32
          %dma_start3A_105 = arith.constant 0 : i32
          %dma_start3A_106 = tpu.memref_slice %arg2[%dma_start3A_104, %dma_start3A_105] : memref<10000x128xf32, #tpu.memory_space<hbm>> -> memref<10000x128xf32, #tpu.memory_space<hbm>>
          tpu.enqueue_indirect_dma source(%dma_start3A_106 : memref<10000x128xf32, #tpu.memory_space<hbm>>) target(%arg8 : memref<128x128xf32, #tpu.memory_space<vmem>>) offsets(%dma_start3A_103 : memref<128xi32, #tpu.memory_space<vmem>>) semaphore(%arg11 : memref<!tpu.dma_semaphore, #tpu.memory_space<semaphore_mem>>)
        } else {
        }
        %add3A_93 = arith.constant 1 : i32
        %add3A_94 = arith.addi %mul3A_76, %add3A_93 : i32
        %lt3A_95 = arith.cmpi slt, %add3A_94, %min3A_16 : i32
        %convert_element_type3A_96 = arith.extui %lt3A_95 : i1 to i32
        %cond3A_97 = arith.constant 0 : i32
        %cond3A_98 = arith.cmpi ne, %convert_element_type3A_96, %cond3A_97 : i32
        scf.if %cond3A_98 {
          %add3A_99 = arith.constant 1 : i32
          %add3A_100 = arith.addi %mul3A_76, %add3A_99 : i32
          %dma_wait3A_101 = arith.constant 0 : i32
          %dma_wait3A_102 = tpu.memref_slice %arg6[%add3A_100, %dma_wait3A_101] : memref<40x128xi32, #tpu.memory_space<vmem>> -> memref<1x128xi32, #tpu.memory_space<vmem>>
          %dma_wait3A_103 = tpu.memref_squeeze %dma_wait3A_102 : memref<1x128xi32, #tpu.memory_space<vmem>> -> memref<128xi32, #tpu.memory_space<vmem>>
          %dma_wait3A_104 = arith.constant 0 : i32
          %dma_wait3A_105 = arith.constant 0 : i32
          %dma_wait3A_106 = tpu.memref_slice %arg2[%dma_wait3A_104, %dma_wait3A_105] : memref<10000x128xf32, #tpu.memory_space<hbm>> -> memref<10000x128xf32, #tpu.memory_space<hbm>>
          tpu.wait_indirect_dma semaphore(%arg12 : memref<!tpu.dma_semaphore, #tpu.memory_space<semaphore_mem>>) src(%dma_wait3A_106 : memref<10000x128xf32, #tpu.memory_space<hbm>>) dst(%arg9 : memref<128x128xf32, #tpu.memory_space<vmem>>)
          %add3A_107 = arith.constant 1 : i32
          %add3A_108 = arith.addi %mul3A_76, %add3A_107 : i32
          "tpu.region"() ({
            %run_scoped3A_109 = tpu.sem_alloc : memref<!tpu.dma_semaphore, #tpu.memory_space<semaphore_mem>>
            %dma_start3A_110 = arith.constant 0 : i32
            %dma_start3A_111 = tpu.memref_slice %arg7[%add3A_108, %dma_start3A_110] : memref<40x128xi32, #tpu.memory_space<vmem>> -> memref<1x128xi32, #tpu.memory_space<vmem>>
            %dma_start3A_112 = tpu.memref_squeeze %dma_start3A_111 : memref<1x128xi32, #tpu.memory_space<vmem>> -> memref<128xi32, #tpu.memory_space<vmem>>
            %dma_start3A_113 = arith.constant 0 : i32
            %dma_start3A_114 = arith.constant 0 : i32
            %dma_start3A_115 = tpu.memref_slice %arg10[%dma_start3A_113, %dma_start3A_114] : memref<10240x128xf32, #tpu.memory_space<vmem_shared>> -> memref<10240x128xf32, #tpu.memory_space<vmem_shared>>
            tpu.enqueue_indirect_dma source(%arg9 : memref<128x128xf32, #tpu.memory_space<vmem>>) target(%dma_start3A_115 : memref<10240x128xf32, #tpu.memory_space<vmem_shared>>) offsets(%dma_start3A_112 : memref<128xi32, #tpu.memory_space<vmem>>) semaphore(%run_scoped3A_109 : memref<!tpu.dma_semaphore, #tpu.memory_space<semaphore_mem>>) {add = true}
            %dma_wait3A_116 = arith.constant 0 : i32
            %dma_wait3A_117 = tpu.memref_slice %arg7[%add3A_108, %dma_wait3A_116] : memref<40x128xi32, #tpu.memory_space<vmem>> -> memref<1x128xi32, #tpu.memory_space<vmem>>
            %dma_wait3A_118 = tpu.memref_squeeze %dma_wait3A_117 : memref<1x128xi32, #tpu.memory_space<vmem>> -> memref<128xi32, #tpu.memory_space<vmem>>
            %dma_wait3A_119 = arith.constant 0 : i32
            %dma_wait3A_120 = arith.constant 0 : i32
            %dma_wait3A_121 = tpu.memref_slice %arg10[%dma_wait3A_119, %dma_wait3A_120] : memref<10240x128xf32, #tpu.memory_space<vmem_shared>> -> memref<10240x128xf32, #tpu.memory_space<vmem_shared>>
            tpu.wait_indirect_dma semaphore(%run_scoped3A_109 : memref<!tpu.dma_semaphore, #tpu.memory_space<semaphore_mem>>) src(%arg9 : memref<128x128xf32, #tpu.memory_space<vmem>>) dst(%dma_wait3A_121 : memref<10240x128xf32, #tpu.memory_space<vmem_shared>>)
            tpu.yield
          }) : () -> ()
        } else {
        }
      }
      %while3A_73 = arith.constant 1 : i32
      scf.for %while3A_74 = %while3A_71 to %while3A_67 step %while3A_73  : i32 {
        %mul3A_75 = arith.constant 2 : i32
        %mul3A_76 = arith.muli %while3A_74, %mul3A_75 : i32
        %add3A_77 = arith.constant 1 : i32
        %add3A_78 = arith.addi %mul3A_76, %add3A_77 : i32
        %lt3A = arith.cmpi slt, %add3A_78, %min3A_16 : i32
        %convert_element_type3A_79 = arith.extui %lt3A : i1 to i32
        %cond3A_80 = arith.constant 0 : i32
        %cond3A_81 = arith.cmpi ne, %convert_element_type3A_79, %cond3A_80 : i32
        scf.if %cond3A_81 {
          %add3A_99 = arith.constant 1 : i32
          %add3A_100 = arith.addi %mul3A_76, %add3A_99 : i32
          %dma_start3A_101 = arith.constant 0 : i32
          %dma_start3A_102 = tpu.memref_slice %arg6[%add3A_100, %dma_start3A_101] : memref<40x128xi32, #tpu.memory_space<vmem>> -> memref<1x128xi32, #tpu.memory_space<vmem>>
          %dma_start3A_103 = tpu.memref_squeeze %dma_start3A_102 : memref<1x128xi32, #tpu.memory_space<vmem>> -> memref<128xi32, #tpu.memory_space<vmem>>
          %dma_start3A_104 = arith.constant 0 : i32
          %dma_start3A_105 = arith.constant 0 : i32
          %dma_start3A_106 = tpu.memref_slice %arg2[%dma_start3A_104, %dma_start3A_105] : memref<10000x128xf32, #tpu.memory_space<hbm>> -> memref<10000x128xf32, #tpu.memory_space<hbm>>
          tpu.enqueue_indirect_dma source(%dma_start3A_106 : memref<10000x128xf32, #tpu.memory_space<hbm>>) target(%arg9 : memref<128x128xf32, #tpu.memory_space<vmem>>) offsets(%dma_start3A_103 : memref<128xi32, #tpu.memory_space<vmem>>) semaphore(%arg12 : memref<!tpu.dma_semaphore, #tpu.memory_space<semaphore_mem>>)
        } else {
        }
        %dma_wait3A = arith.constant 0 : i32
        %dma_wait3A_82 = tpu.memref_slice %arg6[%mul3A_76, %dma_wait3A] : memref<40x128xi32, #tpu.memory_space<vmem>> -> memref<1x128xi32, #tpu.memory_space<vmem>>
        %dma_wait3A_83 = tpu.memref_squeeze %dma_wait3A_82 : memref<1x128xi32, #tpu.memory_space<vmem>> -> memref<128xi32, #tpu.memory_space<vmem>>
        %dma_wait3A_84 = arith.constant 0 : i32
        %dma_wait3A_85 = arith.constant 0 : i32
        %dma_wait3A_86 = tpu.memref_slice %arg2[%dma_wait3A_84, %dma_wait3A_85] : memref<10000x128xf32, #tpu.memory_space<hbm>> -> memref<10000x128xf32, #tpu.memory_space<hbm>>
        tpu.wait_indirect_dma semaphore(%arg11 : memref<!tpu.dma_semaphore, #tpu.memory_space<semaphore_mem>>) src(%dma_wait3A_86 : memref<10000x128xf32, #tpu.memory_space<hbm>>) dst(%arg8 : memref<128x128xf32, #tpu.memory_space<vmem>>)
        "tpu.region"() ({
          %run_scoped3A_99 = tpu.sem_alloc : memref<!tpu.dma_semaphore, #tpu.memory_space<semaphore_mem>>
          %dma_start3A_100 = arith.constant 0 : i32
          %dma_start3A_101 = tpu.memref_slice %arg7[%mul3A_76, %dma_start3A_100] : memref<40x128xi32, #tpu.memory_space<vmem>> -> memref<1x128xi32, #tpu.memory_space<vmem>>
          %dma_start3A_102 = tpu.memref_squeeze %dma_start3A_101 : memref<1x128xi32, #tpu.memory_space<vmem>> -> memref<128xi32, #tpu.memory_space<vmem>>
          %dma_start3A_103 = arith.constant 0 : i32
          %dma_start3A_104 = arith.constant 0 : i32
          %dma_start3A_105 = tpu.memref_slice %arg10[%dma_start3A_103, %dma_start3A_104] : memref<10240x128xf32, #tpu.memory_space<vmem_shared>> -> memref<10240x128xf32, #tpu.memory_space<vmem_shared>>
          tpu.enqueue_indirect_dma source(%arg8 : memref<128x128xf32, #tpu.memory_space<vmem>>) target(%dma_start3A_105 : memref<10240x128xf32, #tpu.memory_space<vmem_shared>>) offsets(%dma_start3A_102 : memref<128xi32, #tpu.memory_space<vmem>>) semaphore(%run_scoped3A_99 : memref<!tpu.dma_semaphore, #tpu.memory_space<semaphore_mem>>) {add = true}
          %dma_wait3A_106 = arith.constant 0 : i32
          %dma_wait3A_107 = tpu.memref_slice %arg7[%mul3A_76, %dma_wait3A_106] : memref<40x128xi32, #tpu.memory_space<vmem>> -> memref<1x128xi32, #tpu.memory_space<vmem>>
          %dma_wait3A_108 = tpu.memref_squeeze %dma_wait3A_107 : memref<1x128xi32, #tpu.memory_space<vmem>> -> memref<128xi32, #tpu.memory_space<vmem>>
          %dma_wait3A_109 = arith.constant 0 : i32
          %dma_wait3A_110 = arith.constant 0 : i32
          %dma_wait3A_111 = tpu.memref_slice %arg10[%dma_wait3A_109, %dma_wait3A_110] : memref<10240x128xf32, #tpu.memory_space<vmem_shared>> -> memref<10240x128xf32, #tpu.memory_space<vmem_shared>>
          tpu.wait_indirect_dma semaphore(%run_scoped3A_99 : memref<!tpu.dma_semaphore, #tpu.memory_space<semaphore_mem>>) src(%arg8 : memref<128x128xf32, #tpu.memory_space<vmem>>) dst(%dma_wait3A_111 : memref<10240x128xf32, #tpu.memory_space<vmem_shared>>)
          tpu.yield
        }) : () -> ()
        %add3A_87 = arith.constant 2 : i32
        %add3A_88 = arith.addi %mul3A_76, %add3A_87 : i32
        %lt3A_89 = arith.cmpi slt, %add3A_88, %min3A_16 : i32
        %convert_element_type3A_90 = arith.extui %lt3A_89 : i1 to i32
        %cond3A_91 = arith.constant 0 : i32
        %cond3A_92 = arith.cmpi ne, %convert_element_type3A_90, %cond3A_91 : i32
        scf.if %cond3A_92 {
          %add3A_99 = arith.constant 2 : i32
          %add3A_100 = arith.addi %mul3A_76, %add3A_99 : i32
          %dma_start3A_101 = arith.constant 0 : i32
          %dma_start3A_102 = tpu.memref_slice %arg6[%add3A_100, %dma_start3A_101] : memref<40x128xi32, #tpu.memory_space<vmem>> -> memref<1x128xi32, #tpu.memory_space<vmem>>
          %dma_start3A_103 = tpu.memref_squeeze %dma_start3A_102 : memref<1x128xi32, #tpu.memory_space<vmem>> -> memref<128xi32, #tpu.memory_space<vmem>>
          %dma_start3A_104 = arith.constant 0 : i32
          %dma_start3A_105 = arith.constant 0 : i32
          %dma_start3A_106 = tpu.memref_slice %arg2[%dma_start3A_104, %dma_start3A_105] : memref<10000x128xf32, #tpu.memory_space<hbm>> -> memref<10000x128xf32, #tpu.memory_space<hbm>>
          tpu.enqueue_indirect_dma source(%dma_start3A_106 : memref<10000x128xf32, #tpu.memory_space<hbm>>) target(%arg8 : memref<128x128xf32, #tpu.memory_space<vmem>>) offsets(%dma_start3A_103 : memref<128xi32, #tpu.memory_space<vmem>>) semaphore(%arg11 : memref<!tpu.dma_semaphore, #tpu.memory_space<semaphore_mem>>)
        } else {
        }
        %add3A_93 = arith.constant 1 : i32
        %add3A_94 = arith.addi %mul3A_76, %add3A_93 : i32
        %lt3A_95 = arith.cmpi slt, %add3A_94, %min3A_16 : i32
        %convert_element_type3A_96 = arith.extui %lt3A_95 : i1 to i32
        %cond3A_97 = arith.constant 0 : i32
        %cond3A_98 = arith.cmpi ne, %convert_element_type3A_96, %cond3A_97 : i32
        scf.if %cond3A_98 {
          %add3A_99 = arith.constant 1 : i32
          %add3A_100 = arith.addi %mul3A_76, %add3A_99 : i32
          %dma_wait3A_101 = arith.constant 0 : i32
          %dma_wait3A_102 = tpu.memref_slice %arg6[%add3A_100, %dma_wait3A_101] : memref<40x128xi32, #tpu.memory_space<vmem>> -> memref<1x128xi32, #tpu.memory_space<vmem>>
          %dma_wait3A_103 = tpu.memref_squeeze %dma_wait3A_102 : memref<1x128xi32, #tpu.memory_space<vmem>> -> memref<128xi32, #tpu.memory_space<vmem>>
          %dma_wait3A_104 = arith.constant 0 : i32
          %dma_wait3A_105 = arith.constant 0 : i32
          %dma_wait3A_106 = tpu.memref_slice %arg2[%dma_wait3A_104, %dma_wait3A_105] : memref<10000x128xf32, #tpu.memory_space<hbm>> -> memref<10000x128xf32, #tpu.memory_space<hbm>>
          tpu.wait_indirect_dma semaphore(%arg12 : memref<!tpu.dma_semaphore, #tpu.memory_space<semaphore_mem>>) src(%dma_wait3A_106 : memref<10000x128xf32, #tpu.memory_space<hbm>>) dst(%arg9 : memref<128x128xf32, #tpu.memory_space<vmem>>)
          %add3A_107 = arith.constant 1 : i32
          %add3A_108 = arith.addi %mul3A_76, %add3A_107 : i32
          "tpu.region"() ({
            %run_scoped3A_109 = tpu.sem_alloc : memref<!tpu.dma_semaphore, #tpu.memory_space<semaphore_mem>>
            %dma_start3A_110 = arith.constant 0 : i32
            %dma_start3A_111 = tpu.memref_slice %arg7[%add3A_108, %dma_start3A_110] : memref<40x128xi32, #tpu.memory_space<vmem>> -> memref<1x128xi32, #tpu.memory_space<vmem>>
            %dma_start3A_112 = tpu.memref_squeeze %dma_start3A_111 : memref<1x128xi32, #tpu.memory_space<vmem>> -> memref<128xi32, #tpu.memory_space<vmem>>
            %dma_start3A_113 = arith.constant 0 : i32
            %dma_start3A_114 = arith.constant 0 : i32
            %dma_start3A_115 = tpu.memref_slice %arg10[%dma_start3A_113, %dma_start3A_114] : memref<10240x128xf32, #tpu.memory_space<vmem_shared>> -> memref<10240x128xf32, #tpu.memory_space<vmem_shared>>
            tpu.enqueue_indirect_dma source(%arg9 : memref<128x128xf32, #tpu.memory_space<vmem>>) target(%dma_start3A_115 : memref<10240x128xf32, #tpu.memory_space<vmem_shared>>) offsets(%dma_start3A_112 : memref<128xi32, #tpu.memory_space<vmem>>) semaphore(%run_scoped3A_109 : memref<!tpu.dma_semaphore, #tpu.memory_space<semaphore_mem>>) {add = true}
            %dma_wait3A_116 = arith.constant 0 : i32
            %dma_wait3A_117 = tpu.memref_slice %arg7[%add3A_108, %dma_wait3A_116] : memref<40x128xi32, #tpu.memory_space<vmem>> -> memref<1x128xi32, #tpu.memory_space<vmem>>
            %dma_wait3A_118 = tpu.memref_squeeze %dma_wait3A_117 : memref<1x128xi32, #tpu.memory_space<vmem>> -> memref<128xi32, #tpu.memory_space<vmem>>
            %dma_wait3A_119 = arith.constant 0 : i32
            %dma_wait3A_120 = arith.constant 0 : i32
            %dma_wait3A_121 = tpu.memref_slice %arg10[%dma_wait3A_119, %dma_wait3A_120] : memref<10240x128xf32, #tpu.memory_space<vmem_shared>> -> memref<10240x128xf32, #tpu.memory_space<vmem_shared>>
            tpu.wait_indirect_dma semaphore(%run_scoped3A_109 : memref<!tpu.dma_semaphore, #tpu.memory_space<semaphore_mem>>) src(%arg9 : memref<128x128xf32, #tpu.memory_space<vmem>>) dst(%dma_wait3A_121 : memref<10240x128xf32, #tpu.memory_space<vmem_shared>>)
            tpu.yield
          }) : () -> ()
        } else {
        }
      }
    } else {
    }
    %mul3A_19 = arith.constant 80 : i32
    %mul3A_20 = arith.muli %add3A, %mul3A_19 : i32
    %add3A_21 = arith.constant 40 : i32
    %add3A_22 = arith.addi %mul3A_20, %add3A_21 : i32
    %sub3A_23 = arith.constant 40 : i32
    %sub3A_24 = arith.subi %min3A, %sub3A_23 : i32
    %jit3A_25 = arith.constant 0 : i32
    %jit3A_26 = arith.constant 40 : i32
    %max3A_27 = arith.maxsi %jit3A_25, %sub3A_24 : i32
    %min3A_28 = arith.minsi %jit3A_26, %max3A_27 : i32
    %gt3A_29 = arith.constant 0 : i32
    %gt3A_30 = arith.cmpi sgt, %min3A_28, %gt3A_29 : i32
    %convert_element_type3A_31 = arith.extui %gt3A_30 : i1 to i32
    %cond3A_32 = arith.constant 0 : i32
    %cond3A_33 = arith.cmpi ne, %convert_element_type3A_31, %cond3A_32 : i32
    scf.if %cond3A_33 {
      %run_scoped3A = arith.constant 0 : i32
      "tpu.region"() ({
        %run_scoped3A_74 = tpu.sem_alloc : memref<!tpu.dma_semaphore, #tpu.memory_space<semaphore_mem>>
        %dma_start3A_75 = arith.constant 0 : i32
        %dma_start3A_76 = tpu.memref_slice %arg3[%run_scoped3A, %add3A_22, %dma_start3A_75] : memref<2x2560x128xi32, #tpu.memory_space<hbm>> -> memref<1x40x128xi32, #tpu.memory_space<hbm>>
        %dma_start3A_77 = tpu.memref_squeeze %dma_start3A_76 : memref<1x40x128xi32, #tpu.memory_space<hbm>> -> memref<40x128xi32, #tpu.memory_space<hbm>>
        %dma_start3A_78 = arith.constant 0 : i32
        %dma_start3A_79 = tpu.memref_slice %arg3[%run_scoped3A, %add3A_22, %dma_start3A_78] : memref<2x2560x128xi32, #tpu.memory_space<hbm>> -> memref<1x40x128xi32, #tpu.memory_space<hbm>>
        %dma_start3A_80 = tpu.memref_squeeze %dma_start3A_79 : memref<1x40x128xi32, #tpu.memory_space<hbm>> -> memref<40x128xi32, #tpu.memory_space<hbm>>
        tpu.enqueue_dma source(%dma_start3A_80 : memref<40x128xi32, #tpu.memory_space<hbm>>) target(%arg6 : memref<40x128xi32, #tpu.memory_space<vmem>>) target_semaphore(%run_scoped3A_74 : memref<!tpu.dma_semaphore, #tpu.memory_space<semaphore_mem>>)
        %dma_wait3A = arith.constant 0 : i32
        %dma_wait3A_81 = tpu.memref_slice %arg3[%run_scoped3A, %add3A_22, %dma_wait3A] : memref<2x2560x128xi32, #tpu.memory_space<hbm>> -> memref<1x40x128xi32, #tpu.memory_space<hbm>>
        %dma_wait3A_82 = tpu.memref_squeeze %dma_wait3A_81 : memref<1x40x128xi32, #tpu.memory_space<hbm>> -> memref<40x128xi32, #tpu.memory_space<hbm>>
        %dma_wait3A_83 = arith.constant 0 : i32
        %dma_wait3A_84 = tpu.memref_slice %arg3[%run_scoped3A, %add3A_22, %dma_wait3A_83] : memref<2x2560x128xi32, #tpu.memory_space<hbm>> -> memref<1x40x128xi32, #tpu.memory_space<hbm>>
        %dma_wait3A_85 = tpu.memref_squeeze %dma_wait3A_84 : memref<1x40x128xi32, #tpu.memory_space<hbm>> -> memref<40x128xi32, #tpu.memory_space<hbm>>
        tpu.wait_dma2 semaphore(%run_scoped3A_74 : memref<!tpu.dma_semaphore, #tpu.memory_space<semaphore_mem>>) src(%dma_wait3A_85 : memref<40x128xi32, #tpu.memory_space<hbm>>) dst(%arg6 : memref<40x128xi32, #tpu.memory_space<vmem>>)
        tpu.yield
      }) : () -> ()
      %run_scoped3A_39 = arith.constant 1 : i32
      "tpu.region"() ({
        %run_scoped3A_74 = tpu.sem_alloc : memref<!tpu.dma_semaphore, #tpu.memory_space<semaphore_mem>>
        %dma_start3A_75 = arith.constant 0 : i32
        %dma_start3A_76 = tpu.memref_slice %arg3[%run_scoped3A_39, %add3A_22, %dma_start3A_75] : memref<2x2560x128xi32, #tpu.memory_space<hbm>> -> memref<1x40x128xi32, #tpu.memory_space<hbm>>
        %dma_start3A_77 = tpu.memref_squeeze %dma_start3A_76 : memref<1x40x128xi32, #tpu.memory_space<hbm>> -> memref<40x128xi32, #tpu.memory_space<hbm>>
        %dma_start3A_78 = arith.constant 0 : i32
        %dma_start3A_79 = tpu.memref_slice %arg3[%run_scoped3A_39, %add3A_22, %dma_start3A_78] : memref<2x2560x128xi32, #tpu.memory_space<hbm>> -> memref<1x40x128xi32, #tpu.memory_space<hbm>>
        %dma_start3A_80 = tpu.memref_squeeze %dma_start3A_79 : memref<1x40x128xi32, #tpu.memory_space<hbm>> -> memref<40x128xi32, #tpu.memory_space<hbm>>
        tpu.enqueue_dma source(%dma_start3A_80 : memref<40x128xi32, #tpu.memory_space<hbm>>) target(%arg7 : memref<40x128xi32, #tpu.memory_space<vmem>>) target_semaphore(%run_scoped3A_74 : memref<!tpu.dma_semaphore, #tpu.memory_space<semaphore_mem>>)
        %dma_wait3A = arith.constant 0 : i32
        %dma_wait3A_81 = tpu.memref_slice %arg3[%run_scoped3A_39, %add3A_22, %dma_wait3A] : memref<2x2560x128xi32, #tpu.memory_space<hbm>> -> memref<1x40x128xi32, #tpu.memory_space<hbm>>
        %dma_wait3A_82 = tpu.memref_squeeze %dma_wait3A_81 : memref<1x40x128xi32, #tpu.memory_space<hbm>> -> memref<40x128xi32, #tpu.memory_space<hbm>>
        %dma_wait3A_83 = arith.constant 0 : i32
        %dma_wait3A_84 = tpu.memref_slice %arg3[%run_scoped3A_39, %add3A_22, %dma_wait3A_83] : memref<2x2560x128xi32, #tpu.memory_space<hbm>> -> memref<1x40x128xi32, #tpu.memory_space<hbm>>
        %dma_wait3A_85 = tpu.memref_squeeze %dma_wait3A_84 : memref<1x40x128xi32, #tpu.memory_space<hbm>> -> memref<40x128xi32, #tpu.memory_space<hbm>>
        tpu.wait_dma2 semaphore(%run_scoped3A_74 : memref<!tpu.dma_semaphore, #tpu.memory_space<semaphore_mem>>) src(%dma_wait3A_85 : memref<40x128xi32, #tpu.memory_space<hbm>>) dst(%arg7 : memref<40x128xi32, #tpu.memory_space<vmem>>)
        tpu.yield
      }) : () -> ()
      %dma_start3A = arith.constant 0 : i32
      %dma_start3A_40 = arith.constant 0 : i32
      %dma_start3A_41 = tpu.memref_slice %arg6[%dma_start3A, %dma_start3A_40] : memref<40x128xi32, #tpu.memory_space<vmem>> -> memref<1x128xi32, #tpu.memory_space<vmem>>
      %dma_start3A_42 = tpu.memref_squeeze %dma_start3A_41 : memref<1x128xi32, #tpu.memory_space<vmem>> -> memref<128xi32, #tpu.memory_space<vmem>>
      %dma_start3A_43 = arith.constant 0 : i32
      %dma_start3A_44 = arith.constant 0 : i32
      %dma_start3A_45 = tpu.memref_slice %arg2[%dma_start3A_43, %dma_start3A_44] : memref<10000x128xf32, #tpu.memory_space<hbm>> -> memref<10000x128xf32, #tpu.memory_space<hbm>>
      tpu.enqueue_indirect_dma source(%dma_start3A_45 : memref<10000x128xf32, #tpu.memory_space<hbm>>) target(%arg8 : memref<128x128xf32, #tpu.memory_space<vmem>>) offsets(%dma_start3A_42 : memref<128xi32, #tpu.memory_space<vmem>>) semaphore(%arg11 : memref<!tpu.dma_semaphore, #tpu.memory_space<semaphore_mem>>)
      %add3A_46 = arith.constant 1 : i32
      %add3A_47 = arith.addi %min3A_28, %add3A_46 : i32
      %jit3A_48 = arith.constant 2 : i32
      %div3A = arith.divsi %add3A_47, %jit3A_48 : i32
      %sign3A = arith.constant 0 : i32
      %sign3A_49 = arith.cmpi sgt, %add3A_47, %sign3A : i32
      %sign3A_50 = arith.extui %sign3A_49 : i1 to i32
      %sign3A_51 = arith.constant 0 : i32
      %sign3A_52 = arith.cmpi slt, %add3A_47, %sign3A_51 : i32
      %sign3A_53 = arith.extui %sign3A_52 : i1 to i32
      %sign3A_54 = arith.subi %sign3A_50, %sign3A_53 : i32
      %sign3A_55 = arith.constant 0 : i32
      %sign3A_56 = arith.cmpi sgt, %jit3A_48, %sign3A_55 : i32
      %sign3A_57 = arith.extui %sign3A_56 : i1 to i32
      %sign3A_58 = arith.constant 0 : i32
      %sign3A_59 = arith.cmpi slt, %jit3A_48, %sign3A_58 : i32
      %sign3A_60 = arith.extui %sign3A_59 : i1 to i32
      %sign3A_61 = arith.subi %sign3A_57, %sign3A_60 : i32
      %ne3A = arith.cmpi ne, %sign3A_54, %sign3A_61 : i32
      %rem3A = arith.remsi %add3A_47, %jit3A_48 : i32
      %ne3A_62 = arith.constant 0 : i32
      %ne3A_63 = arith.cmpi ne, %rem3A, %ne3A_62 : i32
      %and3A = arith.andi %ne3A, %ne3A_63 : i1
      %sub3A_64 = arith.constant 1 : i32
      %sub3A_65 = arith.subi %div3A, %sub3A_64 : i32
      %select_n3A = arith.select %and3A, %sub3A_65, %div3A : i32
      %while3A = arith.constant 0 : i32
      %while3A_66 = arith.subi %select_n3A, %while3A : i32
      %while3A_67 = arith.addi %while3A, %while3A_66 : i32
      %while3A_68 = arith.constant 1 : i32
      %while3A_69 = arith.divsi %while3A_66, %while3A_68 : i32
      %while3A_70 = arith.muli %while3A_69, %while3A_68 : i32
      %while3A_71 = arith.addi %while3A, %while3A_70 : i32
      %while3A_72 = arith.constant 1 : i32
      scf.for %while3A_74 = %while3A to %while3A_71 step %while3A_72  : i32 {
        %mul3A_75 = arith.constant 2 : i32
        %mul3A_76 = arith.muli %while3A_74, %mul3A_75 : i32
        %add3A_77 = arith.constant 1 : i32
        %add3A_78 = arith.addi %mul3A_76, %add3A_77 : i32
        %lt3A = arith.cmpi slt, %add3A_78, %min3A_28 : i32
        %convert_element_type3A_79 = arith.extui %lt3A : i1 to i32
        %cond3A_80 = arith.constant 0 : i32
        %cond3A_81 = arith.cmpi ne, %convert_element_type3A_79, %cond3A_80 : i32
        scf.if %cond3A_81 {
          %add3A_99 = arith.constant 1 : i32
          %add3A_100 = arith.addi %mul3A_76, %add3A_99 : i32
          %dma_start3A_101 = arith.constant 0 : i32
          %dma_start3A_102 = tpu.memref_slice %arg6[%add3A_100, %dma_start3A_101] : memref<40x128xi32, #tpu.memory_space<vmem>> -> memref<1x128xi32, #tpu.memory_space<vmem>>
          %dma_start3A_103 = tpu.memref_squeeze %dma_start3A_102 : memref<1x128xi32, #tpu.memory_space<vmem>> -> memref<128xi32, #tpu.memory_space<vmem>>
          %dma_start3A_104 = arith.constant 0 : i32
          %dma_start3A_105 = arith.constant 0 : i32
          %dma_start3A_106 = tpu.memref_slice %arg2[%dma_start3A_104, %dma_start3A_105] : memref<10000x128xf32, #tpu.memory_space<hbm>> -> memref<10000x128xf32, #tpu.memory_space<hbm>>
          tpu.enqueue_indirect_dma source(%dma_start3A_106 : memref<10000x128xf32, #tpu.memory_space<hbm>>) target(%arg9 : memref<128x128xf32, #tpu.memory_space<vmem>>) offsets(%dma_start3A_103 : memref<128xi32, #tpu.memory_space<vmem>>) semaphore(%arg12 : memref<!tpu.dma_semaphore, #tpu.memory_space<semaphore_mem>>)
        } else {
        }
        %dma_wait3A = arith.constant 0 : i32
        %dma_wait3A_82 = tpu.memref_slice %arg6[%mul3A_76, %dma_wait3A] : memref<40x128xi32, #tpu.memory_space<vmem>> -> memref<1x128xi32, #tpu.memory_space<vmem>>
        %dma_wait3A_83 = tpu.memref_squeeze %dma_wait3A_82 : memref<1x128xi32, #tpu.memory_space<vmem>> -> memref<128xi32, #tpu.memory_space<vmem>>
        %dma_wait3A_84 = arith.constant 0 : i32
        %dma_wait3A_85 = arith.constant 0 : i32
        %dma_wait3A_86 = tpu.memref_slice %arg2[%dma_wait3A_84, %dma_wait3A_85] : memref<10000x128xf32, #tpu.memory_space<hbm>> -> memref<10000x128xf32, #tpu.memory_space<hbm>>
        tpu.wait_indirect_dma semaphore(%arg11 : memref<!tpu.dma_semaphore, #tpu.memory_space<semaphore_mem>>) src(%dma_wait3A_86 : memref<10000x128xf32, #tpu.memory_space<hbm>>) dst(%arg8 : memref<128x128xf32, #tpu.memory_space<vmem>>)
        "tpu.region"() ({
          %run_scoped3A_99 = tpu.sem_alloc : memref<!tpu.dma_semaphore, #tpu.memory_space<semaphore_mem>>
          %dma_start3A_100 = arith.constant 0 : i32
          %dma_start3A_101 = tpu.memref_slice %arg7[%mul3A_76, %dma_start3A_100] : memref<40x128xi32, #tpu.memory_space<vmem>> -> memref<1x128xi32, #tpu.memory_space<vmem>>
          %dma_start3A_102 = tpu.memref_squeeze %dma_start3A_101 : memref<1x128xi32, #tpu.memory_space<vmem>> -> memref<128xi32, #tpu.memory_space<vmem>>
          %dma_start3A_103 = arith.constant 0 : i32
          %dma_start3A_104 = arith.constant 0 : i32
          %dma_start3A_105 = tpu.memref_slice %arg10[%dma_start3A_103, %dma_start3A_104] : memref<10240x128xf32, #tpu.memory_space<vmem_shared>> -> memref<10240x128xf32, #tpu.memory_space<vmem_shared>>
          tpu.enqueue_indirect_dma source(%arg8 : memref<128x128xf32, #tpu.memory_space<vmem>>) target(%dma_start3A_105 : memref<10240x128xf32, #tpu.memory_space<vmem_shared>>) offsets(%dma_start3A_102 : memref<128xi32, #tpu.memory_space<vmem>>) semaphore(%run_scoped3A_99 : memref<!tpu.dma_semaphore, #tpu.memory_space<semaphore_mem>>) {add = true}
          %dma_wait3A_106 = arith.constant 0 : i32
          %dma_wait3A_107 = tpu.memref_slice %arg7[%mul3A_76, %dma_wait3A_106] : memref<40x128xi32, #tpu.memory_space<vmem>> -> memref<1x128xi32, #tpu.memory_space<vmem>>
          %dma_wait3A_108 = tpu.memref_squeeze %dma_wait3A_107 : memref<1x128xi32, #tpu.memory_space<vmem>> -> memref<128xi32, #tpu.memory_space<vmem>>
          %dma_wait3A_109 = arith.constant 0 : i32
          %dma_wait3A_110 = arith.constant 0 : i32
          %dma_wait3A_111 = tpu.memref_slice %arg10[%dma_wait3A_109, %dma_wait3A_110] : memref<10240x128xf32, #tpu.memory_space<vmem_shared>> -> memref<10240x128xf32, #tpu.memory_space<vmem_shared>>
          tpu.wait_indirect_dma semaphore(%run_scoped3A_99 : memref<!tpu.dma_semaphore, #tpu.memory_space<semaphore_mem>>) src(%arg8 : memref<128x128xf32, #tpu.memory_space<vmem>>) dst(%dma_wait3A_111 : memref<10240x128xf32, #tpu.memory_space<vmem_shared>>)
          tpu.yield
        }) : () -> ()
        %add3A_87 = arith.constant 2 : i32
        %add3A_88 = arith.addi %mul3A_76, %add3A_87 : i32
        %lt3A_89 = arith.cmpi slt, %add3A_88, %min3A_28 : i32
        %convert_element_type3A_90 = arith.extui %lt3A_89 : i1 to i32
        %cond3A_91 = arith.constant 0 : i32
        %cond3A_92 = arith.cmpi ne, %convert_element_type3A_90, %cond3A_91 : i32
        scf.if %cond3A_92 {
          %add3A_99 = arith.constant 2 : i32
          %add3A_100 = arith.addi %mul3A_76, %add3A_99 : i32
          %dma_start3A_101 = arith.constant 0 : i32
          %dma_start3A_102 = tpu.memref_slice %arg6[%add3A_100, %dma_start3A_101] : memref<40x128xi32, #tpu.memory_space<vmem>> -> memref<1x128xi32, #tpu.memory_space<vmem>>
          %dma_start3A_103 = tpu.memref_squeeze %dma_start3A_102 : memref<1x128xi32, #tpu.memory_space<vmem>> -> memref<128xi32, #tpu.memory_space<vmem>>
          %dma_start3A_104 = arith.constant 0 : i32
          %dma_start3A_105 = arith.constant 0 : i32
          %dma_start3A_106 = tpu.memref_slice %arg2[%dma_start3A_104, %dma_start3A_105] : memref<10000x128xf32, #tpu.memory_space<hbm>> -> memref<10000x128xf32, #tpu.memory_space<hbm>>
          tpu.enqueue_indirect_dma source(%dma_start3A_106 : memref<10000x128xf32, #tpu.memory_space<hbm>>) target(%arg8 : memref<128x128xf32, #tpu.memory_space<vmem>>) offsets(%dma_start3A_103 : memref<128xi32, #tpu.memory_space<vmem>>) semaphore(%arg11 : memref<!tpu.dma_semaphore, #tpu.memory_space<semaphore_mem>>)
        } else {
        }
        %add3A_93 = arith.constant 1 : i32
        %add3A_94 = arith.addi %mul3A_76, %add3A_93 : i32
        %lt3A_95 = arith.cmpi slt, %add3A_94, %min3A_28 : i32
        %convert_element_type3A_96 = arith.extui %lt3A_95 : i1 to i32
        %cond3A_97 = arith.constant 0 : i32
        %cond3A_98 = arith.cmpi ne, %convert_element_type3A_96, %cond3A_97 : i32
        scf.if %cond3A_98 {
          %add3A_99 = arith.constant 1 : i32
          %add3A_100 = arith.addi %mul3A_76, %add3A_99 : i32
          %dma_wait3A_101 = arith.constant 0 : i32
          %dma_wait3A_102 = tpu.memref_slice %arg6[%add3A_100, %dma_wait3A_101] : memref<40x128xi32, #tpu.memory_space<vmem>> -> memref<1x128xi32, #tpu.memory_space<vmem>>
          %dma_wait3A_103 = tpu.memref_squeeze %dma_wait3A_102 : memref<1x128xi32, #tpu.memory_space<vmem>> -> memref<128xi32, #tpu.memory_space<vmem>>
          %dma_wait3A_104 = arith.constant 0 : i32
          %dma_wait3A_105 = arith.constant 0 : i32
          %dma_wait3A_106 = tpu.memref_slice %arg2[%dma_wait3A_104, %dma_wait3A_105] : memref<10000x128xf32, #tpu.memory_space<hbm>> -> memref<10000x128xf32, #tpu.memory_space<hbm>>
          tpu.wait_indirect_dma semaphore(%arg12 : memref<!tpu.dma_semaphore, #tpu.memory_space<semaphore_mem>>) src(%dma_wait3A_106 : memref<10000x128xf32, #tpu.memory_space<hbm>>) dst(%arg9 : memref<128x128xf32, #tpu.memory_space<vmem>>)
          %add3A_107 = arith.constant 1 : i32
          %add3A_108 = arith.addi %mul3A_76, %add3A_107 : i32
          "tpu.region"() ({
            %run_scoped3A_109 = tpu.sem_alloc : memref<!tpu.dma_semaphore, #tpu.memory_space<semaphore_mem>>
            %dma_start3A_110 = arith.constant 0 : i32
            %dma_start3A_111 = tpu.memref_slice %arg7[%add3A_108, %dma_start3A_110] : memref<40x128xi32, #tpu.memory_space<vmem>> -> memref<1x128xi32, #tpu.memory_space<vmem>>
            %dma_start3A_112 = tpu.memref_squeeze %dma_start3A_111 : memref<1x128xi32, #tpu.memory_space<vmem>> -> memref<128xi32, #tpu.memory_space<vmem>>
            %dma_start3A_113 = arith.constant 0 : i32
            %dma_start3A_114 = arith.constant 0 : i32
            %dma_start3A_115 = tpu.memref_slice %arg10[%dma_start3A_113, %dma_start3A_114] : memref<10240x128xf32, #tpu.memory_space<vmem_shared>> -> memref<10240x128xf32, #tpu.memory_space<vmem_shared>>
            tpu.enqueue_indirect_dma source(%arg9 : memref<128x128xf32, #tpu.memory_space<vmem>>) target(%dma_start3A_115 : memref<10240x128xf32, #tpu.memory_space<vmem_shared>>) offsets(%dma_start3A_112 : memref<128xi32, #tpu.memory_space<vmem>>) semaphore(%run_scoped3A_109 : memref<!tpu.dma_semaphore, #tpu.memory_space<semaphore_mem>>) {add = true}
            %dma_wait3A_116 = arith.constant 0 : i32
            %dma_wait3A_117 = tpu.memref_slice %arg7[%add3A_108, %dma_wait3A_116] : memref<40x128xi32, #tpu.memory_space<vmem>> -> memref<1x128xi32, #tpu.memory_space<vmem>>
            %dma_wait3A_118 = tpu.memref_squeeze %dma_wait3A_117 : memref<1x128xi32, #tpu.memory_space<vmem>> -> memref<128xi32, #tpu.memory_space<vmem>>
            %dma_wait3A_119 = arith.constant 0 : i32
            %dma_wait3A_120 = arith.constant 0 : i32
            %dma_wait3A_121 = tpu.memref_slice %arg10[%dma_wait3A_119, %dma_wait3A_120] : memref<10240x128xf32, #tpu.memory_space<vmem_shared>> -> memref<10240x128xf32, #tpu.memory_space<vmem_shared>>
            tpu.wait_indirect_dma semaphore(%run_scoped3A_109 : memref<!tpu.dma_semaphore, #tpu.memory_space<semaphore_mem>>) src(%arg9 : memref<128x128xf32, #tpu.memory_space<vmem>>) dst(%dma_wait3A_121 : memref<10240x128xf32, #tpu.memory_space<vmem_shared>>)
            tpu.yield
          }) : () -> ()
        } else {
        }
      }
      %while3A_73 = arith.constant 1 : i32
      scf.for %while3A_74 = %while3A_71 to %while3A_67 step %while3A_73  : i32 {
        %mul3A_75 = arith.constant 2 : i32
        %mul3A_76 = arith.muli %while3A_74, %mul3A_75 : i32
        %add3A_77 = arith.constant 1 : i32
        %add3A_78 = arith.addi %mul3A_76, %add3A_77 : i32
        %lt3A = arith.cmpi slt, %add3A_78, %min3A_28 : i32
        %convert_element_type3A_79 = arith.extui %lt3A : i1 to i32
        %cond3A_80 = arith.constant 0 : i32
        %cond3A_81 = arith.cmpi ne, %convert_element_type3A_79, %cond3A_80 : i32
        scf.if %cond3A_81 {
          %add3A_99 = arith.constant 1 : i32
          %add3A_100 = arith.addi %mul3A_76, %add3A_99 : i32
          %dma_start3A_101 = arith.constant 0 : i32
          %dma_start3A_102 = tpu.memref_slice %arg6[%add3A_100, %dma_start3A_101] : memref<40x128xi32, #tpu.memory_space<vmem>> -> memref<1x128xi32, #tpu.memory_space<vmem>>
          %dma_start3A_103 = tpu.memref_squeeze %dma_start3A_102 : memref<1x128xi32, #tpu.memory_space<vmem>> -> memref<128xi32, #tpu.memory_space<vmem>>
          %dma_start3A_104 = arith.constant 0 : i32
          %dma_start3A_105 = arith.constant 0 : i32
          %dma_start3A_106 = tpu.memref_slice %arg2[%dma_start3A_104, %dma_start3A_105] : memref<10000x128xf32, #tpu.memory_space<hbm>> -> memref<10000x128xf32, #tpu.memory_space<hbm>>
          tpu.enqueue_indirect_dma source(%dma_start3A_106 : memref<10000x128xf32, #tpu.memory_space<hbm>>) target(%arg9 : memref<128x128xf32, #tpu.memory_space<vmem>>) offsets(%dma_start3A_103 : memref<128xi32, #tpu.memory_space<vmem>>) semaphore(%arg12 : memref<!tpu.dma_semaphore, #tpu.memory_space<semaphore_mem>>)
        } else {
        }
        %dma_wait3A = arith.constant 0 : i32
        %dma_wait3A_82 = tpu.memref_slice %arg6[%mul3A_76, %dma_wait3A] : memref<40x128xi32, #tpu.memory_space<vmem>> -> memref<1x128xi32, #tpu.memory_space<vmem>>
        %dma_wait3A_83 = tpu.memref_squeeze %dma_wait3A_82 : memref<1x128xi32, #tpu.memory_space<vmem>> -> memref<128xi32, #tpu.memory_space<vmem>>
        %dma_wait3A_84 = arith.constant 0 : i32
        %dma_wait3A_85 = arith.constant 0 : i32
        %dma_wait3A_86 = tpu.memref_slice %arg2[%dma_wait3A_84, %dma_wait3A_85] : memref<10000x128xf32, #tpu.memory_space<hbm>> -> memref<10000x128xf32, #tpu.memory_space<hbm>>
        tpu.wait_indirect_dma semaphore(%arg11 : memref<!tpu.dma_semaphore, #tpu.memory_space<semaphore_mem>>) src(%dma_wait3A_86 : memref<10000x128xf32, #tpu.memory_space<hbm>>) dst(%arg8 : memref<128x128xf32, #tpu.memory_space<vmem>>)
        "tpu.region"() ({
          %run_scoped3A_99 = tpu.sem_alloc : memref<!tpu.dma_semaphore, #tpu.memory_space<semaphore_mem>>
          %dma_start3A_100 = arith.constant 0 : i32
          %dma_start3A_101 = tpu.memref_slice %arg7[%mul3A_76, %dma_start3A_100] : memref<40x128xi32, #tpu.memory_space<vmem>> -> memref<1x128xi32, #tpu.memory_space<vmem>>
          %dma_start3A_102 = tpu.memref_squeeze %dma_start3A_101 : memref<1x128xi32, #tpu.memory_space<vmem>> -> memref<128xi32, #tpu.memory_space<vmem>>
          %dma_start3A_103 = arith.constant 0 : i32
          %dma_start3A_104 = arith.constant 0 : i32
          %dma_start3A_105 = tpu.memref_slice %arg10[%dma_start3A_103, %dma_start3A_104] : memref<10240x128xf32, #tpu.memory_space<vmem_shared>> -> memref<10240x128xf32, #tpu.memory_space<vmem_shared>>
          tpu.enqueue_indirect_dma source(%arg8 : memref<128x128xf32, #tpu.memory_space<vmem>>) target(%dma_start3A_105 : memref<10240x128xf32, #tpu.memory_space<vmem_shared>>) offsets(%dma_start3A_102 : memref<128xi32, #tpu.memory_space<vmem>>) semaphore(%run_scoped3A_99 : memref<!tpu.dma_semaphore, #tpu.memory_space<semaphore_mem>>) {add = true}
          %dma_wait3A_106 = arith.constant 0 : i32
          %dma_wait3A_107 = tpu.memref_slice %arg7[%mul3A_76, %dma_wait3A_106] : memref<40x128xi32, #tpu.memory_space<vmem>> -> memref<1x128xi32, #tpu.memory_space<vmem>>
          %dma_wait3A_108 = tpu.memref_squeeze %dma_wait3A_107 : memref<1x128xi32, #tpu.memory_space<vmem>> -> memref<128xi32, #tpu.memory_space<vmem>>
          %dma_wait3A_109 = arith.constant 0 : i32
          %dma_wait3A_110 = arith.constant 0 : i32
          %dma_wait3A_111 = tpu.memref_slice %arg10[%dma_wait3A_109, %dma_wait3A_110] : memref<10240x128xf32, #tpu.memory_space<vmem_shared>> -> memref<10240x128xf32, #tpu.memory_space<vmem_shared>>
          tpu.wait_indirect_dma semaphore(%run_scoped3A_99 : memref<!tpu.dma_semaphore, #tpu.memory_space<semaphore_mem>>) src(%arg8 : memref<128x128xf32, #tpu.memory_space<vmem>>) dst(%dma_wait3A_111 : memref<10240x128xf32, #tpu.memory_space<vmem_shared>>)
          tpu.yield
        }) : () -> ()
        %add3A_87 = arith.constant 2 : i32
        %add3A_88 = arith.addi %mul3A_76, %add3A_87 : i32
        %lt3A_89 = arith.cmpi slt, %add3A_88, %min3A_28 : i32
        %convert_element_type3A_90 = arith.extui %lt3A_89 : i1 to i32
        %cond3A_91 = arith.constant 0 : i32
        %cond3A_92 = arith.cmpi ne, %convert_element_type3A_90, %cond3A_91 : i32
        scf.if %cond3A_92 {
          %add3A_99 = arith.constant 2 : i32
          %add3A_100 = arith.addi %mul3A_76, %add3A_99 : i32
          %dma_start3A_101 = arith.constant 0 : i32
          %dma_start3A_102 = tpu.memref_slice %arg6[%add3A_100, %dma_start3A_101] : memref<40x128xi32, #tpu.memory_space<vmem>> -> memref<1x128xi32, #tpu.memory_space<vmem>>
          %dma_start3A_103 = tpu.memref_squeeze %dma_start3A_102 : memref<1x128xi32, #tpu.memory_space<vmem>> -> memref<128xi32, #tpu.memory_space<vmem>>
          %dma_start3A_104 = arith.constant 0 : i32
          %dma_start3A_105 = arith.constant 0 : i32
          %dma_start3A_106 = tpu.memref_slice %arg2[%dma_start3A_104, %dma_start3A_105] : memref<10000x128xf32, #tpu.memory_space<hbm>> -> memref<10000x128xf32, #tpu.memory_space<hbm>>
          tpu.enqueue_indirect_dma source(%dma_start3A_106 : memref<10000x128xf32, #tpu.memory_space<hbm>>) target(%arg8 : memref<128x128xf32, #tpu.memory_space<vmem>>) offsets(%dma_start3A_103 : memref<128xi32, #tpu.memory_space<vmem>>) semaphore(%arg11 : memref<!tpu.dma_semaphore, #tpu.memory_space<semaphore_mem>>)
        } else {
        }
        %add3A_93 = arith.constant 1 : i32
        %add3A_94 = arith.addi %mul3A_76, %add3A_93 : i32
        %lt3A_95 = arith.cmpi slt, %add3A_94, %min3A_28 : i32
        %convert_element_type3A_96 = arith.extui %lt3A_95 : i1 to i32
        %cond3A_97 = arith.constant 0 : i32
        %cond3A_98 = arith.cmpi ne, %convert_element_type3A_96, %cond3A_97 : i32
        scf.if %cond3A_98 {
          %add3A_99 = arith.constant 1 : i32
          %add3A_100 = arith.addi %mul3A_76, %add3A_99 : i32
          %dma_wait3A_101 = arith.constant 0 : i32
          %dma_wait3A_102 = tpu.memref_slice %arg6[%add3A_100, %dma_wait3A_101] : memref<40x128xi32, #tpu.memory_space<vmem>> -> memref<1x128xi32, #tpu.memory_space<vmem>>
          %dma_wait3A_103 = tpu.memref_squeeze %dma_wait3A_102 : memref<1x128xi32, #tpu.memory_space<vmem>> -> memref<128xi32, #tpu.memory_space<vmem>>
          %dma_wait3A_104 = arith.constant 0 : i32
          %dma_wait3A_105 = arith.constant 0 : i32
          %dma_wait3A_106 = tpu.memref_slice %arg2[%dma_wait3A_104, %dma_wait3A_105] : memref<10000x128xf32, #tpu.memory_space<hbm>> -> memref<10000x128xf32, #tpu.memory_space<hbm>>
          tpu.wait_indirect_dma semaphore(%arg12 : memref<!tpu.dma_semaphore, #tpu.memory_space<semaphore_mem>>) src(%dma_wait3A_106 : memref<10000x128xf32, #tpu.memory_space<hbm>>) dst(%arg9 : memref<128x128xf32, #tpu.memory_space<vmem>>)
          %add3A_107 = arith.constant 1 : i32
          %add3A_108 = arith.addi %mul3A_76, %add3A_107 : i32
          "tpu.region"() ({
            %run_scoped3A_109 = tpu.sem_alloc : memref<!tpu.dma_semaphore, #tpu.memory_space<semaphore_mem>>
            %dma_start3A_110 = arith.constant 0 : i32
            %dma_start3A_111 = tpu.memref_slice %arg7[%add3A_108, %dma_start3A_110] : memref<40x128xi32, #tpu.memory_space<vmem>> -> memref<1x128xi32, #tpu.memory_space<vmem>>
            %dma_start3A_112 = tpu.memref_squeeze %dma_start3A_111 : memref<1x128xi32, #tpu.memory_space<vmem>> -> memref<128xi32, #tpu.memory_space<vmem>>
            %dma_start3A_113 = arith.constant 0 : i32
            %dma_start3A_114 = arith.constant 0 : i32
            %dma_start3A_115 = tpu.memref_slice %arg10[%dma_start3A_113, %dma_start3A_114] : memref<10240x128xf32, #tpu.memory_space<vmem_shared>> -> memref<10240x128xf32, #tpu.memory_space<vmem_shared>>
            tpu.enqueue_indirect_dma source(%arg9 : memref<128x128xf32, #tpu.memory_space<vmem>>) target(%dma_start3A_115 : memref<10240x128xf32, #tpu.memory_space<vmem_shared>>) offsets(%dma_start3A_112 : memref<128xi32, #tpu.memory_space<vmem>>) semaphore(%run_scoped3A_109 : memref<!tpu.dma_semaphore, #tpu.memory_space<semaphore_mem>>) {add = true}
            %dma_wait3A_116 = arith.constant 0 : i32
            %dma_wait3A_117 = tpu.memref_slice %arg7[%add3A_108, %dma_wait3A_116] : memref<40x128xi32, #tpu.memory_space<vmem>> -> memref<1x128xi32, #tpu.memory_space<vmem>>
            %dma_wait3A_118 = tpu.memref_squeeze %dma_wait3A_117 : memref<1x128xi32, #tpu.memory_space<vmem>> -> memref<128xi32, #tpu.memory_space<vmem>>
            %dma_wait3A_119 = arith.constant 0 : i32
            %dma_wait3A_120 = arith.constant 0 : i32
            %dma_wait3A_121 = tpu.memref_slice %arg10[%dma_wait3A_119, %dma_wait3A_120] : memref<10240x128xf32, #tpu.memory_space<vmem_shared>> -> memref<10240x128xf32, #tpu.memory_space<vmem_shared>>
            tpu.wait_indirect_dma semaphore(%run_scoped3A_109 : memref<!tpu.dma_semaphore, #tpu.memory_space<semaphore_mem>>) src(%arg9 : memref<128x128xf32, #tpu.memory_space<vmem>>) dst(%dma_wait3A_121 : memref<10240x128xf32, #tpu.memory_space<vmem_shared>>)
            tpu.yield
          }) : () -> ()
        } else {
        }
      }
    } else {
    }
    %barrier3A_34 = arith.constant 0 : index
    tpu.barrier barrier_id(%barrier3A_34)
    %mul3A_35 = arith.constant 640 : i32
    %mul3A_36 = arith.muli %arg1, %mul3A_35 : i32
    %mul3A_37 = arith.constant 640 : i32
    %mul3A_38 = arith.muli %arg1, %mul3A_37 : i32
    "tpu.region"() ({
      %run_scoped3A = tpu.sem_alloc : memref<!tpu.dma_semaphore, #tpu.memory_space<semaphore_mem>>
      %dma_start3A = arith.constant 0 : i32
      %dma_start3A_39 = tpu.memref_slice %arg5[%arg0, %mul3A_38, %dma_start3A] : memref<2x10240x128xf32, #tpu.memory_space<hbm>> -> memref<1x640x128xf32, #tpu.memory_space<hbm>>
      %dma_start3A_40 = tpu.memref_squeeze %dma_start3A_39 : memref<1x640x128xf32, #tpu.memory_space<hbm>> -> memref<640x128xf32, #tpu.memory_space<hbm>>
      %dma_start3A_41 = arith.constant 0 : i32
      %dma_start3A_42 = tpu.memref_slice %arg10[%mul3A_36, %dma_start3A_41] : memref<10240x128xf32, #tpu.memory_space<vmem_shared>> -> memref<640x128xf32, #tpu.memory_space<vmem_shared>>
      tpu.enqueue_dma source(%dma_start3A_42 : memref<640x128xf32, #tpu.memory_space<vmem_shared>>) target(%dma_start3A_40 : memref<640x128xf32, #tpu.memory_space<hbm>>) target_semaphore(%run_scoped3A : memref<!tpu.dma_semaphore, #tpu.memory_space<semaphore_mem>>)
      %dma_wait3A = arith.constant 0 : i32
      %dma_wait3A_43 = tpu.memref_slice %arg5[%arg0, %mul3A_38, %dma_wait3A] : memref<2x10240x128xf32, #tpu.memory_space<hbm>> -> memref<1x640x128xf32, #tpu.memory_space<hbm>>
      %dma_wait3A_44 = tpu.memref_squeeze %dma_wait3A_43 : memref<1x640x128xf32, #tpu.memory_space<hbm>> -> memref<640x128xf32, #tpu.memory_space<hbm>>
      %dma_wait3A_45 = arith.constant 0 : i32
      %dma_wait3A_46 = tpu.memref_slice %arg10[%mul3A_36, %dma_wait3A_45] : memref<10240x128xf32, #tpu.memory_space<vmem_shared>> -> memref<640x128xf32, #tpu.memory_space<vmem_shared>>
      tpu.wait_dma2 semaphore(%run_scoped3A : memref<!tpu.dma_semaphore, #tpu.memory_space<semaphore_mem>>) src(%dma_wait3A_46 : memref<640x128xf32, #tpu.memory_space<vmem_shared>>) dst(%dma_wait3A_44 : memref<640x128xf32, #tpu.memory_space<hbm>>)
      tpu.yield
    }) : () -> ()
    return
  }
}

module attributes {stable_mosaic.version = 14 : i64} {
  func.func @_mlp_body(%arg0: i32, %arg1: memref<1xf32, #tpu.memory_space<smem>>, %arg2: memref<2000x128xf32, #tpu.memory_space<vmem>>, %arg3: memref<2x2000x128xf32, #tpu.memory_space<vmem>>, %arg4: memref<128x128xf32, #tpu.memory_space<vmem>>, %arg5: memref<1x128xf32, #tpu.memory_space<vmem>>, %arg6: memref<128x128xf32, #tpu.memory_space<vmem>>, %arg7: memref<1x128xf32, #tpu.memory_space<vmem>>, %arg8: memref<2000x128xf32, #tpu.memory_space<vmem>>) attributes {dimension_semantics = [#tpu.dimension_semantics<arbitrary>], iteration_bounds = array<i64: 5>, scalar_prefetch = 0 : i64, scratch_operands = 0 : i64, tpu.core_type = #tpu.core_type<tc>, window_params = [{transform_indices = @transform_0, window_bounds = array<i64: 1>}, {transform_indices = @transform_1, window_bounds = array<i64: 2000, 128>}, {transform_indices = @transform_2, window_bounds = array<i64: 2, 2000, 128>}, {pipeline_mode = #tpu.pipeline_mode<synchronous>, transform_indices = @transform_3, window_bounds = array<i64: 128, 128>}, {pipeline_mode = #tpu.pipeline_mode<synchronous>, transform_indices = @transform_4, window_bounds = array<i64: 1, 128>}, {pipeline_mode = #tpu.pipeline_mode<synchronous>, transform_indices = @transform_5, window_bounds = array<i64: 128, 128>}, {pipeline_mode = #tpu.pipeline_mode<synchronous>, transform_indices = @transform_6, window_bounds = array<i64: 1, 128>}, {transform_indices = @transform_7, window_bounds = array<i64: 2000, 128>}]} {
    %get3A = arith.constant 0 : index
    %get3A_0 = arith.constant 0 : index
    %get3A_1 = vector.load %arg2[%get3A, %get3A_0] : memref<2000x128xf32, #tpu.memory_space<vmem>>, vector<2000x128xf32>
    %get3A_2 = arith.constant 0 : index
    %get3A_3 = arith.constant 0 : index
    %get3A_4 = arith.constant 0 : index
    %get3A_5 = vector.load %arg3[%get3A_2, %get3A_3, %get3A_4] : memref<2x2000x128xf32, #tpu.memory_space<vmem>>, vector<1x2000x128xf32>
    %get3A_6 = vector.shape_cast %get3A_5 : vector<1x2000x128xf32> to vector<2000x128xf32>
    %add3A = arith.addf %get3A_1, %get3A_6 : vector<2000x128xf32>
    %get3A_7 = arith.constant 1 : index
    %get3A_8 = arith.constant 0 : index
    %get3A_9 = arith.constant 0 : index
    %get3A_10 = vector.load %arg3[%get3A_7, %get3A_8, %get3A_9] : memref<2x2000x128xf32, #tpu.memory_space<vmem>>, vector<1x2000x128xf32>
    %get3A_11 = vector.shape_cast %get3A_10 : vector<1x2000x128xf32> to vector<2000x128xf32>
    %add3A_12 = arith.addf %add3A, %get3A_11 : vector<2000x128xf32>
    %get3A_13 = arith.constant 0 : index
    %get3A_14 = arith.constant 0 : index
    %get3A_15 = vector.load %arg4[%get3A_13, %get3A_14] : memref<128x128xf32, #tpu.memory_space<vmem>>, vector<128x128xf32>
    %dot_general3A = arith.constant dense<0.000000e+00> : vector<2000x128xf32>
    %dot_general3A_16 = tpu.matmul %add3A_12, %get3A_15, %dot_general3A {dimension_numbers = #tpu.dot_dimension_numbers<[1], [0], [0], [1], [0, 0, 1, 1], [], []>, transpose_lhs_hint = false} : vector<2000x128xf32>, vector<128x128xf32>, vector<2000x128xf32> -> vector<2000x128xf32>
    %get3A_17 = arith.constant 0 : index
    %get3A_18 = arith.constant 0 : index
    %get3A_19 = vector.load %arg5[%get3A_17, %get3A_18] : memref<1x128xf32, #tpu.memory_space<vmem>>, vector<1x128xf32>
    %add3A_20 = vector.broadcast %get3A_19 : vector<1x128xf32> to vector<2000x128xf32>
    %add3A_21 = arith.addf %dot_general3A_16, %add3A_20 : vector<2000x128xf32>
    %max3A = arith.constant 0.000000e+00 : f32
    %max3A_22 = vector.broadcast %max3A : f32 to vector<2000x128xf32>
    %max3A_23 = arith.maximumf %add3A_21, %max3A_22 : vector<2000x128xf32>
    %get3A_24 = arith.constant 0 : index
    %get3A_25 = arith.constant 0 : index
    %get3A_26 = vector.load %arg6[%get3A_24, %get3A_25] : memref<128x128xf32, #tpu.memory_space<vmem>>, vector<128x128xf32>
    %dot_general3A_27 = arith.constant dense<0.000000e+00> : vector<2000x128xf32>
    %dot_general3A_28 = tpu.matmul %max3A_23, %get3A_26, %dot_general3A_27 {dimension_numbers = #tpu.dot_dimension_numbers<[1], [0], [0], [1], [0, 0, 1, 1], [], []>, transpose_lhs_hint = false} : vector<2000x128xf32>, vector<128x128xf32>, vector<2000x128xf32> -> vector<2000x128xf32>
    %get3A_29 = arith.constant 0 : index
    %get3A_30 = arith.constant 0 : index
    %get3A_31 = vector.load %arg7[%get3A_29, %get3A_30] : memref<1x128xf32, #tpu.memory_space<vmem>>, vector<1x128xf32>
    %add3A_32 = vector.broadcast %get3A_31 : vector<1x128xf32> to vector<2000x128xf32>
    %add3A_33 = arith.addf %dot_general3A_28, %add3A_32 : vector<2000x128xf32>
    %get3A_34 = arith.constant 0 : index
    %get3A_35 = memref.load %arg1[%get3A_34] : memref<1xf32, #tpu.memory_space<smem>>
    %mul3A = vector.broadcast %get3A_35 : f32 to vector<2000x128xf32>
    %mul3A_36 = arith.mulf %add3A_33, %mul3A : vector<2000x128xf32>
    %swap3A = arith.constant 0 : index
    %swap3A_37 = arith.constant 0 : index
    %swap3A_38 = vector.load %arg8[%swap3A, %swap3A_37] : memref<2000x128xf32, #tpu.memory_space<vmem>>, vector<2000x128xf32>
    tpu.vector_store %arg8[%swap3A, %swap3A_37], %mul3A_36 {strides = array<i32>} : memref<2000x128xf32, #tpu.memory_space<vmem>>, vector<2000x128xf32>,
    return
  }
  func.func @transform_0(%arg0: i32) -> i32 {
    %c0_i32 = arith.constant 0 : i32
    %c0_i32_0 = arith.constant 0 : i32
    return %c0_i32 : i32
  }
  func.func @transform_1(%arg0: i32) -> (i32, i32) {
    %c0_i32 = arith.constant 0 : i32
    %c0_i32_0 = arith.constant 0 : i32
    return %arg0, %c0_i32 : i32, i32
  }
  func.func @transform_2(%arg0: i32) -> (i32, i32, i32) {
    %c0_i32 = arith.constant 0 : i32
    %c0_i32_0 = arith.constant 0 : i32
    %c0_i32_1 = arith.constant 0 : i32
    return %c0_i32, %arg0, %c0_i32_0 : i32, i32, i32
  }
  func.func @transform_3(%arg0: i32) -> (i32, i32) {
    %c0_i32 = arith.constant 0 : i32
    %c0_i32_0 = arith.constant 0 : i32
    %c0_i32_1 = arith.constant 0 : i32
    return %c0_i32, %c0_i32_0 : i32, i32
  }
  func.func @transform_4(%arg0: i32) -> (i32, i32) {
    %c0_i32 = arith.constant 0 : i32
    %c0_i32_0 = arith.constant 0 : i32
    %c0_i32_1 = arith.constant 0 : i32
    return %c0_i32, %c0_i32_0 : i32, i32
  }
  func.func @transform_5(%arg0: i32) -> (i32, i32) {
    %c0_i32 = arith.constant 0 : i32
    %c0_i32_0 = arith.constant 0 : i32
    %c0_i32_1 = arith.constant 0 : i32
    return %c0_i32, %c0_i32_0 : i32, i32
  }
  func.func @transform_6(%arg0: i32) -> (i32, i32) {
    %c0_i32 = arith.constant 0 : i32
    %c0_i32_0 = arith.constant 0 : i32
    %c0_i32_1 = arith.constant 0 : i32
    return %c0_i32, %c0_i32_0 : i32, i32
  }
  func.func @transform_7(%arg0: i32) -> (i32, i32) {
    %c0_i32 = arith.constant 0 : i32
    %c0_i32_0 = arith.constant 0 : i32
    return %arg0, %c0_i32 : i32, i32
  }
}

module attributes {stable_mosaic.version = 14 : i64} {
  func.func @_reformat_body(%arg0: i32, %arg1: memref<2x512x128xi32, #tpu.memory_space<vmem>>, %arg2: memref<2x512x128xi32, #tpu.memory_space<vmem>>) attributes {dimension_semantics = [#tpu.dimension_semantics<arbitrary>], iteration_bounds = array<i64: 5>, scalar_prefetch = 0 : i64, scratch_operands = 0 : i64, tpu.core_type = #tpu.core_type<tc>, window_params = [{transform_indices = @transform_0, window_bounds = array<i64: 2, 512, 128>}, {transform_indices = @transform_1, window_bounds = array<i64: 2, 512, 128>}]} {
    %mul3A = arith.constant 512 : i32
    %mul3A_0 = arith.muli %arg0, %mul3A : i32
    %iota3A = tpu.iota {dimensions = array<i32: 0>} : vector<512x128xi32>
    %add3A = vector.broadcast %mul3A_0 : i32 to vector<512x128xi32>
    %add3A_1 = arith.addi %add3A, %iota3A : vector<512x128xi32>
    %mul3A_2 = arith.constant 128 : i32
    %mul3A_3 = vector.broadcast %mul3A_2 : i32 to vector<512x128xi32>
    %mul3A_4 = arith.muli %add3A_1, %mul3A_3 : vector<512x128xi32>
    %iota3A_5 = tpu.iota {dimensions = array<i32: 1>} : vector<512x128xi32>
    %add3A_6 = arith.addi %mul3A_4, %iota3A_5 : vector<512x128xi32>
    %lt3A = arith.constant 2500 : i32
    %lt3A_7 = vector.broadcast %lt3A : i32 to vector<512x128xi32>
    %lt3A_8 = arith.cmpi slt, %add3A_1, %lt3A_7 : vector<512x128xi32>
    %get3A = arith.constant 0 : index
    %get3A_9 = arith.constant 0 : index
    %get3A_10 = arith.constant 0 : index
    %get3A_11 = vector.load %arg1[%get3A, %get3A_9, %get3A_10] : memref<2x512x128xi32, #tpu.memory_space<vmem>>, vector<1x512x128xi32>
    %get3A_12 = vector.shape_cast %get3A_11 : vector<1x512x128xi32> to vector<512x128xi32>
    %jit3A = arith.constant 10000 : i32
    %eq3A = arith.constant 0 : i32
    %eq3A_13 = arith.cmpi eq, %jit3A, %eq3A : i32
    %jit3A_14 = arith.constant 1 : i32
    %select_n3A = arith.select %eq3A_13, %jit3A_14, %jit3A : i32
    %rem3A = vector.broadcast %select_n3A : i32 to vector<512x128xi32>
    %rem3A_15 = arith.remsi %add3A_6, %rem3A : vector<512x128xi32>
    %ne3A = arith.constant 0 : i32
    %ne3A_16 = vector.broadcast %ne3A : i32 to vector<512x128xi32>
    %ne3A_17 = arith.cmpi ne, %rem3A_15, %ne3A_16 : vector<512x128xi32>
    %lt3A_18 = arith.constant 0 : i32
    %lt3A_19 = vector.broadcast %lt3A_18 : i32 to vector<512x128xi32>
    %lt3A_20 = arith.cmpi slt, %rem3A_15, %lt3A_19 : vector<512x128xi32>
    %lt3A_21 = arith.constant 0 : i32
    %lt3A_22 = arith.cmpi slt, %select_n3A, %lt3A_21 : i32
    %ne3A_23 = vector.broadcast %lt3A_22 : i1 to vector<512x128xi1>
    %ne3A_24 = vector.broadcast %ne3A_23 : vector<512x128xi1> to vector<512x128xi1>
    %ne3A_25 = arith.xori %lt3A_20, %ne3A_24 : vector<512x128xi1>
    %and3A = arith.andi %ne3A_25, %ne3A_17 : vector<512x128xi1>
    %add3A_26 = vector.broadcast %select_n3A : i32 to vector<512x128xi32>
    %add3A_27 = arith.addi %rem3A_15, %add3A_26 : vector<512x128xi32>
    %select_n3A_28 = arith.select %and3A, %add3A_27, %rem3A_15 : vector<512x128xi1>, vector<512x128xi32>
    %select_n3A_29 = arith.select %lt3A_8, %get3A_12, %select_n3A_28 : vector<512x128xi1>, vector<512x128xi32>
    %swap3A = arith.constant 0 : index
    %swap3A_30 = arith.constant 0 : index
    %swap3A_31 = arith.constant 0 : index
    %swap3A_32 = vector.load %arg2[%swap3A, %swap3A_30, %swap3A_31] : memref<2x512x128xi32, #tpu.memory_space<vmem>>, vector<1x512x128xi32>
    %swap3A_33 = vector.shape_cast %swap3A_32 : vector<1x512x128xi32> to vector<512x128xi32>
    %swap3A_34 = vector.shape_cast %select_n3A_29 : vector<512x128xi32> to vector<1x512x128xi32>
    tpu.vector_store %arg2[%swap3A, %swap3A_30, %swap3A_31], %swap3A_34 {strides = array<i32>} : memref<2x512x128xi32, #tpu.memory_space<vmem>>, vector<1x512x128xi32>,
    %get3A_35 = arith.constant 1 : index
    %get3A_36 = arith.constant 0 : index
    %get3A_37 = arith.constant 0 : index
    %get3A_38 = vector.load %arg1[%get3A_35, %get3A_36, %get3A_37] : memref<2x512x128xi32, #tpu.memory_space<vmem>>, vector<1x512x128xi32>
    %get3A_39 = vector.shape_cast %get3A_38 : vector<1x512x128xi32> to vector<512x128xi32>
    %jit3A_40 = arith.constant 240 : i32
    %eq3A_41 = arith.constant 0 : i32
    %eq3A_42 = arith.cmpi eq, %jit3A_40, %eq3A_41 : i32
    %jit3A_43 = arith.constant 1 : i32
    %select_n3A_44 = arith.select %eq3A_42, %jit3A_43, %jit3A_40 : i32
    %rem3A_45 = vector.broadcast %select_n3A_44 : i32 to vector<512x128xi32>
    %rem3A_46 = arith.remsi %add3A_6, %rem3A_45 : vector<512x128xi32>
    %ne3A_47 = arith.constant 0 : i32
    %ne3A_48 = vector.broadcast %ne3A_47 : i32 to vector<512x128xi32>
    %ne3A_49 = arith.cmpi ne, %rem3A_46, %ne3A_48 : vector<512x128xi32>
    %lt3A_50 = arith.constant 0 : i32
    %lt3A_51 = vector.broadcast %lt3A_50 : i32 to vector<512x128xi32>
    %lt3A_52 = arith.cmpi slt, %rem3A_46, %lt3A_51 : vector<512x128xi32>
    %lt3A_53 = arith.constant 0 : i32
    %lt3A_54 = arith.cmpi slt, %select_n3A_44, %lt3A_53 : i32
    %ne3A_55 = vector.broadcast %lt3A_54 : i1 to vector<512x128xi1>
    %ne3A_56 = vector.broadcast %ne3A_55 : vector<512x128xi1> to vector<512x128xi1>
    %ne3A_57 = arith.xori %lt3A_52, %ne3A_56 : vector<512x128xi1>
    %and3A_58 = arith.andi %ne3A_57, %ne3A_49 : vector<512x128xi1>
    %add3A_59 = vector.broadcast %select_n3A_44 : i32 to vector<512x128xi32>
    %add3A_60 = arith.addi %rem3A_46, %add3A_59 : vector<512x128xi32>
    %select_n3A_61 = arith.select %and3A_58, %add3A_60, %rem3A_46 : vector<512x128xi1>, vector<512x128xi32>
    %add3A_62 = arith.constant 10000 : i32
    %add3A_63 = vector.broadcast %add3A_62 : i32 to vector<512x128xi32>
    %add3A_64 = arith.addi %add3A_63, %select_n3A_61 : vector<512x128xi32>
    %select_n3A_65 = arith.select %lt3A_8, %get3A_39, %add3A_64 : vector<512x128xi1>, vector<512x128xi32>
    %swap3A_66 = arith.constant 1 : index
    %swap3A_67 = arith.constant 0 : index
    %swap3A_68 = arith.constant 0 : index
    %swap3A_69 = vector.load %arg2[%swap3A_66, %swap3A_67, %swap3A_68] : memref<2x512x128xi32, #tpu.memory_space<vmem>>, vector<1x512x128xi32>
    %swap3A_70 = vector.shape_cast %swap3A_69 : vector<1x512x128xi32> to vector<512x128xi32>
    %swap3A_71 = vector.shape_cast %select_n3A_65 : vector<512x128xi32> to vector<1x512x128xi32>
    tpu.vector_store %arg2[%swap3A_66, %swap3A_67, %swap3A_68], %swap3A_71 {strides = array<i32>} : memref<2x512x128xi32, #tpu.memory_space<vmem>>, vector<1x512x128xi32>,
    return
  }
  func.func @transform_0(%arg0: i32) -> (i32, i32, i32) {
    %c0_i32 = arith.constant 0 : i32
    %c0_i32_0 = arith.constant 0 : i32
    %c0_i32_1 = arith.constant 0 : i32
    return %c0_i32, %arg0, %c0_i32_0 : i32, i32, i32
  }
  func.func @transform_1(%arg0: i32) -> (i32, i32, i32) {
    %c0_i32 = arith.constant 0 : i32
    %c0_i32_0 = arith.constant 0 : i32
    %c0_i32_1 = arith.constant 0 : i32
    return %c0_i32, %arg0, %c0_i32_0 : i32, i32, i32
  }
}

</mosaic_0001>

<sc_bundles>
// kernel: kernel.5.cloned.1.call-start
scs
__scs_entry_jumppad:
0x0: {  	(pc) =	sbr.rel $0x88, $3  }
0x1: {  	(tag) =	ssettag $0x0;
	lr =	simm.s32 $0x1  }
0x2: {  	[smem:$0x3F9A] =	sst lr;
	_ =	strace $0xD0000000  }
0x3: {  	_ = 	snop  }
0x4: {  	_ = 	snop  }
0x5: {  	_ = 	snop  }
0x6: {  	_ = 	snop  }
0x7: {  	_ = 	snop  }
__scs_overlays_trampoline_lowered:
0x8: {  	[smem:$0x3FA9] =	sst s0  }
0x9: {  	[smem:$0x3FAA] =	sst s1  }
0xa: {  	[smem:$0x3FAB] =	sst s2  }
0xb: {  	[smem:$0x3FAC] =	sst s3  }
0xc: {  	[smem:$0x3FAD] =	sst s4  }
0xd: {  	[smem:$0x3FAE] =	sst s5  }
0xe: {  	[smem:$0x3FAF] =	sst s6  }
0xf: {  	[smem:$0x3FB0] =	sst s7  }
0x10: {  	[smem:$0x3FB1] =	sst s8  }
0x11: {  	[smem:$0x3FB2] =	sst s9;
	s0 =	simm.s32 @!p0 $0x0  }
0x12: {  	s1 =	sld [smem:$0x3F98];
	s0 =	simm.s32 @p0 $0x1  }
0x13: {  	[smem:$0x3FB3] =	sst s0;
	s0 =	simm.s32 @!p1 $0x0  }
0x14: {  	s2 =	sld [smem:$0x3F97];
	s0 =	simm.s32 @p1 $0x1  }
0x15: {  	[smem:$0x3FB4] =	sst s0;
	s0 =	simm.s32 @!p2 $0x0  }
0x16: {  	s3 =	sld [smem:$0x3FDB];
	s0 =	simm.s32 @p2 $0x1  }
0x17: {  	s4 =	simm.s32 $0x1BF5;
	[smem:$0x3FB6] =	sst s0  }
0x18: {  	s0 =	sld [smem:$0x3F99];
	_ =	swait.ge [sflag:s4], $0x0  }
0x19: {  	s7 =	sld [smem:$0x3F9A]  }
0x1a: {  	s8 =	sadd.s32 $0xFFFFE003, lr  }
0x1b: {  	s9 =	sadd.s32 $0xFFFFFEF7, lr;
	s5 =	simm.s32 $0xFFFFFFFF;
	p2 =	slt.u32 s8, $0xFFFFF086  }
0x1c: {  	p1 =	slt.u32 s9, $0xF7A;
	s5 =	simm.s32 @!p2 $0x0  }
0x1d: {  	s5 =	simm.s32 @p1 $0x1;
	p0 =	seq.s32 s7, s2  }
0x1e: {  	s7 =	smul.u32 @!p0 $0xF7A, s2;
	p2 =	seq.s32 @!p0 s5, $0x0  }
0x1f: {  	s9 =	smul.u32 $0xF7A, s1;
	s8 =	simm.s32 @!p0 $0x1BF5;
	p2 =	por !p2, p0  }
0x20: {  	[sflag:s8] =	ssyncset.s32 @!p0 $0xFFFFF086;
	s6 =	sadd.s32 @!p0 s3, s7;
	s7 =	simm.s32 @!p0 $0x108  }
0x21: {  	s3 =	sadd.s32 s3, s9;
	s6 =	sadd.s32 @!p0 $0x88, s6;
	s7 =	simm.s32 @p2 $0x1082  }
0x22: {  	[simem:s7], [sflag:s8] =	dma.local @!p0 [hbm:s6], $0xF7A  }
0x23: {  	s9 =	sor.u32 $0xD0000000, s2;
	s6 =	simm.s32 $0x108;
	_ =	swait.ge @!p0 [sflag:s8], $0x0  }
0x24: {  	s3 =	sadd.s32 $0x88, s3;
	s6 =	simm.s32 @!p1 $0x1082;
	[sflag:s4] =	ssyncset.s32 $0xFFFFF086  }
0x25: {  	[simem:s6], [sflag:s4] =	dma.local [hbm:s3], $0xF7A  }
0x26: {  	[smem:$0x3F9A] =	sst s1;
	(tag) =	ssettag s2;
	_ =	strace s9  }
0x27: {  	s1 =	sld [smem:$0x3FAA]  }
0x28: {  	s2 =	sld [smem:$0x3FAB]  }
0x29: {  	s4 =	sld [smem:$0x3FAD]  }
0x2a: {  	p0 =	seq.s32 s5, $0x0;
	s5 =	sld [smem:$0x3FAE]  }
0x2b: {  	s6 =	sld [smem:$0x3FAF]  }
0x2c: {  	s7 =	sld [smem:$0x3FB0]  }
0x2d: {  	s3 =	simm.s32 $0x108;
	s8 =	sld [smem:$0x3FB1]  }
0x2e: {  	s3 =	simm.s32 @!p0 $0x1082;
	s9 =	sld [smem:$0x3FB2]  }
0x2f: {  	lr =	sadd.s32 s0, s3;
	s0 =	sld [smem:$0x3FA9]  }
0x30: {  	s3 =	sld [smem:$0x3FAC]  }
0x31: {  	[smem:$0x3FB5] =	sst s10  }
0x32: {  	s10 =	sld [smem:$0x3FB3];
	_ =	sdelay $0x3  }
0x33: {  	p0 =	seq.s32 s10, $0x1;
	s10 =	sld [smem:$0x3FB5];
	_ =	sdelay $0x3  }
0x34: {  	[smem:$0x3FB5] =	sst s10  }
0x35: {  	s10 =	sld [smem:$0x3FB4];
	_ =	sdelay $0x3  }
0x36: {  	p1 =	seq.s32 s10, $0x1;
	s10 =	sld [smem:$0x3FB5];
	_ =	sdelay $0x3  }
0x37: {  	[smem:$0x3FB5] =	sst s10  }
0x38: {  	s10 =	sld [smem:$0x3FB6]  }
0x39: {  	_ = 	snop;
	(pc) =	sbr.ind lr, $3  }
0x3a: {  	_ = 	snop  }
0x3b: {  	_ = 	snop  }
0x3c: {  	p2 =	seq.s32 s10, $0x1;
	s10 =	sld [smem:$0x3FB5]  }
0x3d: {  	_ =	shalt  }
0x3e: {  	_ =	shalt  }
0x3f: {  	_ =	shalt  }
0x40: {  	_ =	shalt  }
0x41: {  	_ =	shalt  }
0x42: {  	_ =	shalt  }
0x43: {  	_ =	shalt  }
0x44: {  	_ =	shalt  }
0x45: {  	_ =	shalt  }
0x46: {  	_ =	shalt  }
0x47: {  	_ =	shalt  }
0x48: {  	_ =	shalt  }
0x49: {  	_ =	shalt  }
0x4a: {  	_ =	shalt  }
0x4b: {  	_ =	shalt  }
0x4c: {  	_ =	shalt  }
0x4d: {  	_ =	shalt  }
0x4e: {  	_ =	shalt  }
0x4f: {  	_ =	shalt  }
0x50: {  	_ =	shalt  }
0x51: {  	_ =	shalt  }
0x52: {  	_ =	shalt  }
0x53: {  	_ =	shalt  }
0x54: {  	_ =	shalt  }
0x55: {  	_ =	shalt  }
0x56: {  	_ =	shalt  }
0x57: {  	_ =	shalt  }
0x58: {  	_ =	shalt  }
0x59: {  	_ =	shalt  }
0x5a: {  	_ =	shalt  }
0x5b: {  	_ =	shalt  }
0x5c: {  	_ =	shalt  }
0x5d: {  	_ =	shalt  }
0x5e: {  	_ =	shalt  }
0x5f: {  	_ =	shalt  }
0x60: {  	_ =	shalt  }
0x61: {  	_ =	shalt  }
0x62: {  	_ =	shalt  }
0x63: {  	_ =	shalt  }
0x64: {  	_ =	shalt  }
0x65: {  	_ =	shalt  }
0x66: {  	_ =	shalt  }
0x67: {  	_ =	shalt  }
0x68: {  	_ =	shalt  }
0x69: {  	_ =	shalt  }
0x6a: {  	_ =	shalt  }
0x6b: {  	_ =	shalt  }
0x6c: {  	_ =	shalt  }
0x6d: {  	_ =	shalt  }
0x6e: {  	_ =	shalt  }
0x6f: {  	_ =	shalt  }
0x70: {  	_ =	shalt  }
0x71: {  	_ =	shalt  }
0x72: {  	_ =	shalt  }
0x73: {  	_ =	shalt  }
0x74: {  	_ =	shalt  }
0x75: {  	_ =	shalt  }
0x76: {  	_ =	shalt  }
0x77: {  	_ =	shalt  }
0x78: {  	_ =	shalt  }
0x79: {  	_ =	shalt  }
0x7a: {  	_ =	shalt  }
0x7b: {  	_ =	shalt  }
0x7c: {  	_ =	shalt  }
0x7d: {  	_ =	shalt  }
0x7e: {  	_ =	shalt  }
0x7f: {  	_ =	shalt  }
0x80: {  	_ =	shalt  }
0x81: {  	_ =	shalt  }
0x82: {  	_ =	shalt  }
0x83: {  	_ =	shalt  }
0x84: {  	_ =	shalt  }
0x85: {  	_ =	shalt  }
0x86: {  	_ =	shalt  }
0x87: {  	_ =	shalt  }
.Lfunc_end0:
.L_simem_size_0:
called_computation_lowered:
.L_overlay_start_0:
0x88: {  	s2 =	sld [smem:$0x3FD9]  }
0x89: {  	s3 =	sld [smem:$0x3FFE];
	_ =	sdelay $0x1  }
0x8a: {  	s1 =	srdreg.scid  }
0x8b: {  	s0 =	sand.u32 $0x1, s1  }
0x8c: {  	s14 =	sshll.u32 s0, $0xA;
	s2 =	sadd.s32 s3, s2  }
0x8d: {  	s2 =	sadd.s32 s2, s14  }
0x8e: {  	[smem:$0x3FC1] =	sst s2  }
0x8f: {  	_ = 	snop  }
0x90: {  	s2 =	sld [smem:$0x3FD0];
	_ =	sdelay $0x2  }
0x91: {  	s4 =	simm.s32 $0xA;
	s5 =	simm.s32 $0x10;
	s15 =	sld [smem:$0x3FC9]  }
0x92: {  	[smem:s5], [sflag:s4] =	dma.local [hbm:s2], $0x1  }
0x93: {  	_ =	swait.eq [sflag:s4], $0x1  }
0x94: {  	[sflag:s4] =	ssyncset.done $0x0  }
0x95: {  	[sflag:s4] =	ssyncadd.s32 $0xFFFFFFFF  }
0x96: {  	s16 =	sld [smem:$0x10];
	(tm) =	ssettm $0x1  }
0x97: {  	s17 =	sld [smem:$0x3FFB];
	_ =	sdelay $0x3  }
0x98: {  	_ =	strace s17  }
0x99: {  	s4 =	sld [smem:$0x3FFC];
	_ =	sdelay $0x3  }
0x9a: {  	_ =	strace s4  }
0x9b: {  	s4 =	sld [smem:$0x3FFD];
	_ =	sdelay $0x3  }
0x9c: {  	_ =	strace s4  }
0x9d: {  	_ =	strace $0x8FFFFFFF  }
0x9e: {  	s18 =	sld [smem:$0x3FDB];
	_ =	sdelay $0x1  }
0x9f: {  	s19 =	simm.s32 $_scs_section_size  }
0xa0: {  	s6 =	simm.s32 $_size__tile_overlayer_lowered;
	s7 =	simm.s32 $_tile_overlayer_lowered  }
0xa1: {  	s22 =	simm.s32 $0x1BFF;
	s21 =	sshll.u32 s7, $0x1;
	s4 =	sadd.s32 s19, s18  }
0xa2: {  	s8 =	simm.s32 $0x0;
	s20 =	sshll.u32 s6, $0x1;
	s6 =	sadd.s32 s21, s4  }
0xa3: {  	[timem:s8], [sflag:s22] =	dma.local [hbm:s6], s20  }
0xa4: {  	_ =	swait.ge [sflag:s22], s20  }
0xa5: {  	s5 =	ssub.s32 $0x0, s20;
	[sflag:s22] =	ssyncset.done $0x0  }
0xa6: {  	[sflag:s22] =	ssyncadd.s32 s5;
	_ =	sdelay $0x1  }
0xa7: {  	s23 =	simm.s32 $0x1B8B  }
0xa8: {  	_ =	swait.ge [sflag:s23], $0x1  }
0xa9: {  	[sflag:s23] =	ssyncset.done $0x0  }
0xaa: {  	s25 =	simm.s32 $0x1B8E;
	s24 =	sld [smem:$0x3FFE];
	[sflag:s23] =	ssyncadd.s32 $0xFFFFFFFF  }
0xab: {  	s26 =	simm.s32 $execute0_lowered;
	[smem:$0x3FD2] =	sst s25  }
0xac: {  	s6 =	sshll.u32 s26, $0x1;
	_ =	strace $0x80000046;
	[dreg:$0x1] =	wrdreg $0xFFFFFFFF  }
0xad: {  	s28 =	simm.s32 $_size_execute0_lowered;
	s4 =	sadd.s32 s4, s6;
	[dreg:$0x0] =	wrdreg $0x0  }
0xae: {  	s6 =	sshll.u32 s28, $0x1;
	[dreg:$0x2] =	wrdreg s4  }
0xaf: {  	[dreg:$0x3] =	wrdreg s6  }
0xb0: {  	[dreg:$0x4] =	wrdreg $0xC0  }
0xb1: {  	_ =	task [dreg:s8], $0x5FFFF  }
0xb2: {  	[dreg:$0x1] =	wrdreg $0xFFFFFFFF  }
0xb3: {  	[dreg:$0x0] =	wrdreg $0x60  }
0xb4: {  	[dreg:$0x2] =	wrdreg s15  }
0xb5: {  	[dreg:$0x3] =	wrdreg s16  }
0xb6: {  	[dreg:$0x4] =	wrdreg s24  }
0xb7: {  	[dreg:$0x5] =	wrdreg $0xA8000  }
0xb8: {  	[dreg:$0x6] =	wrdreg $0x9  }
0xb9: {  	_ =	task.clear_ibuf [dreg:s8], $0x7FFFF;
	_ =	strace $0x90000046  }
0xba: {  	s29 =	simm.s32 $0x9;
	_ =	strace $0x80000048  }
0xbb: {  	_ =	swait.ge [sflag:s29], $0x1  }
0xbc: {  	[sflag:s29] =	ssyncadd.s32 $0xFFFFFFFF  }
0xbd: {  	_ =	strace $0x90000048  }
0xbe: {  	_ =	sfence  }
0xbf: {  	s30 =	sld [smem:$0x0];
	_ =	sdelay $0x2  }
0xc0: {  	s31 =	sshll.u32 s1, $0xD;
	s1 =	sshrl.u32 s1, $0x2  }
0xc1: {  	s3 =	sand.u32 $0x4000, s31;
	s1 =	sadd.s32 s1, s30  }
0xc2: {  	s0 =	sor.u32 s3, s0;
	s1 =	sshll.u32 s1, $0x11  }
0xc3: {  	s0 =	sor.u32 s1, s0  }
0xc4: {  	s0 =	sadd.s32 $0x8F2B, s0  }
0xc5: {  	[sflag:s0] =	ssyncadd.remote.s32 $0x1  }
0xc6: {  	_ =	sfence.sel $0xFFFF  }
0xc7: {  	[dreg:$0x0] =	wrdreg $0xFFFFFFFF;
	(pc) =	sbr.abs _section_cstart, $3  }
0xc8: {  	[dreg:$0x1] =	wrdreg $0xFFFFFFFF  }
0xc9: {  	_ =	task.clear_ibuf [dreg:s8], $0x2FFFF;
	_ =	strace $0x9FFFFFFF  }
0xca: {  	(tm) =	ssettm $0x7FFFFFFF  }
0xcb: {  	_ =	shalt  }
tec
execute0_lowered:
.L_overlay_start_1:
0x0: {  	(tag) =	ssettag $0x1  }
0x1: {  	s1 =	rddreg [dreg:$0x0]  }
0x2: {  	s8 =	rddreg [dreg:$0x1]  }
0x3: {  	s6 =	rddreg [dreg:$0x2]  }
0x4: {  	s2 =	rddreg [dreg:$0x3];
	s0 =	stileid.u32  }
0x5: {  	s3 =	srdreg.scid;
	s4 =	simm.s32 $0x0;
	s10 =	smul.u32 $0x14000, s0  }
0x6: {  	s7 =	sand.u32 $0x1, s3;
	[smem:$0x7FF] =	sst s4;
	s18 =	smul.u32 $0x50000, s0  }
0x7: {  	s17 =	sadd.s32 $0x1800, s6;
	s11 =	sshll.u32 s0, $0x1;
	s23 =	smul.u32 $0xFFFFFF60, s0  }
0x8: {  	s24 =	sshll.u32 s0, $0x6;
	s9 =	smul.u32 $0x140000, s7;
	_ =	strace $0x80000047  }
0x9: {  	s20 =	sor.u32 s7, s11;
	s19 =	ssub.s32 $0x2, s7;
	s7 =	smul.u32 $0xFFFFFFB0, s7  }
0xa: {  	[dreg:$0x5] =	wrdreg s17;
	s12 =	smul.u32 $0xFFFFFFB0, s20;
	s21 =	sshrl.u32 s19, $0x1  }
0xb: {  	s22 =	sshrl.u32 s18, $0x2;
	s25 =	smul.u32 $0x2800, s20;
	s18 =	simm.s32 $0x3  }
0xc: {  	p0 =	seq.s32 s20, $0x1F;
	s20 =	simm.s32 $0x1;
	s9 =	sadd.s32 s10, s9  }
0xd: {  	s14 =	ssub.s32 s19, s21;
	s17 =	sadd.s32 s22, s2;
	s19 =	simm.s32 $0x2800  }
0xe: {  	s21 =	simm.s32 $0x80;
	s22 =	simm.s32 $0x4;
	s9 =	sshrl.u32 s9, $0x3  }
0xf: {  	s26 =	sadd.s32 $0x9C4, s12;
	s10 =	sshrl.u32 s25, $0x3;
	s14 =	smax.u32 s14, $0x1  }
0x10: {  	s17 =	sshrl.u32 s17, $0x3;
	s13 =	sadd.s32 s9, s6;
	s6 =	sor.u32 $0x1C03, s24  }
0x11: {  	s9 =	sadd.s32 s23, s7;
	s7 =	smin.u32 s26, $0x28;
	s8 =	sadd.s32 s8, s10  }
0x12: {  	s28 =	smax.u32 s26, $0x28;
	s23 =	simm.s32 $0x0;
	s15 =	sadd.s32 $0x9C4, s9  }
0x13: {  	s30 =	sadd.s32 $0xA000, s8;
	s10 =	smin.u32 s28, $0x50;
	s29 =	smax.u32 s15, $0x28  }
.Ltmp0:
0x14: {  	s11 =	sadd.s32 $0x280, s8;
	s31 =	smin.u32 s29, $0x50;
	(pc) =	sbr.rel .LBB2_1-.Ltmp0, $4  }
0x15: {  	s12 =	sadd.s32 $0xA280, s8;
	s13 =	sadd.s32 $0x4000, s13;
	s16 =	sadd.s32 $0xFFFFFFD8, s31  }
0x16: {  	[dreg:$0x6] =	wrdreg s30;
	s10 =	sadd.s32 $0xFFFFFFD8, s10;
	s16 =	sshrl.u32 s16, $0x1  }
0x17: {  	s15 =	smin.u32 s15, $0x28;
	p1 =	seq.s32 @!p0 s10, $0x0;
	s16 =	smax.u32 s16, $0x1  }
0x18: {  	s15 =	sshll.u32 s15, $0x9;
	p1 =	por p0, p1;
	s16 =	sshll.u32 s16, $0x1  }
.LBB2_7:
0x19: {  	_ = 	snop  }
.LBB2_10:
0x1a: {  	p2 =	por p2, !p3  }
0x1b: {  	[sflag:s29] =	ssyncset.done @!p2 $0x0  }
0x1c: {  	s0 =	simm.s32 @!p4 $0x80;
	s3 =	simm.s32 @!p4 $0x6800;
	[sflag:s29] =	ssyncadd.s32 @!p2 $0xFFFFC000  }
0x1d: {  	[tilespmem:s3], [sflag:$0x2] =	stream.indirect.gather @!p4 [hbm4b:s1+s0], $0x80, s25, s0, $0xb8;
	[tilespmem:$0x1E800] =	vst v63  }
0x1e: {  	_ =	swait.ge [sflag:s20], $0x4000  }
0x1f: {  	[sflag:s20] =	ssyncset.done $0x0  }
0x20: {  	p3 =	sge.u32 s26, s10;
	[sflag:s20] =	ssyncadd.s32 $0xFFFFC000  }
0x21: {  	[spmem:s2] =	stream.indirect.scatter.add.f32 [tilespmem:s19], [sflag:$0x4], $0x80, s24, s21, $0xb8;
	[tilespmem:$0x1E800] =	vst v63  }
0x22: {  	s5 =	sadd.s32 @!p3 $0x80, s25;
	_ =	swait.ge [sflag:s22], $0x4000  }
0x23: {  	s26 =	simm.s32 @!p3 $0x2800;
	p2 =	por p4, p4;
	[sflag:s22] =	ssyncset.done $0x0  }
0x24: {  	s9 =	simm.s32 @!p2 $0x2;
	s25 =	simm.s32 @!p3 $0x80;
	[sflag:s22] =	ssyncadd.s32 $0xFFFFC000  }
0x25: {  	[tilespmem:s26], [sflag:$0x1] =	stream.indirect.gather @!p3 [hbm4b:s1+s25], $0x80, s5, s25, $0xb8;
	[tilespmem:$0x1E800] =	vst v63  }
0x26: {  	_ =	swait.ge @!p2 [sflag:s9], $0x4000  }
0x27: {  	[sflag:s9] =	ssyncset.done @!p2 $0x0  }
0x28: {  	s5 =	sadd.s32 @!p2 $0x80, s24;
	s24 =	simm.s32 @!p2 $0x3;
	[sflag:s9] =	ssyncadd.s32 @!p2 $0xFFFFC000  }
0x29: {  	[spmem:s2] =	stream.indirect.scatter.add.f32 @!p2 [tilespmem:s3], [sflag:$0x3], $0x80, s5, s0, $0xb8;
	[tilespmem:$0x1E800] =	vst v63  }
0x2a: {  	_ =	swait.ge @!p2 [sflag:s24], $0x4000  }
0x2b: {  	[sflag:s24] =	ssyncset.done @!p2 $0x0  }
0x2c: {  	[sflag:s24] =	ssyncadd.s32 @!p2 $0xFFFFC000  }
.LBB2_11:
0x2d: {  	s23 =	sadd.s32 $0x1, s23  }
0x2e: {  	p2 =	sne.s32 s23, s14  }
.Ltmp1:
0x2f: {  	[bflag:$0x0] =	sbarrier.arrive $0xFFFF;
	(pc) =	sbr.rel @!p2 .LBB2_12-.Ltmp1, $4  }
0x30: {  	[hbm:s13], [sflag:s6] =	dma.local [spmem:s17], $0x2800  }
0x31: {  	_ =	swait.ge [sflag:s18], $0x2800  }
0x32: {  	[sflag:s18] =	ssyncset.done $0x0  }
0x33: {  	[sflag:s18] =	ssyncadd.s32 $0xFFFFD800  }
.LBB2_1:
0x34: {  	s0 =	rddreg [dreg:$0x5]  }
0x35: {  	[spmem:s17], [sflag:s6] =	dma.local [hbm:s0], $0x2800  }
0x36: {  	_ =	swait.ge [sflag:s18], $0x2800  }
0x37: {  	[sflag:s18] =	ssyncset.done $0x0  }
0x38: {  	[sflag:s18] =	ssyncadd.s32 $0xFFFFD800  }
0x39: {  	[bflag:$0x0] =	sbarrier.arrive $0xFFFF  }
0x3a: {  	[tilespmem:s4], [sflag:$0x3] =	stream.linear.gather [hbm4b:s8+s4], $0x1400, $0x38;
	[tilespmem:$0x1E800] =	vst v63  }
0x3b: {  	_ =	swait.ge [sflag:s18], $0x1400  }
0x3c: {  	s24 =	simm.s32 $0x1400;
	s25 =	sadd.s32 $0xFFFFFC00, s15;
	[sflag:s18] =	ssyncset.done $0x0  }
0x3d: {  	p2 =	sne.s32 s25, $0x0;
	s31 =	rddreg [dreg:$0x6];
	[sflag:s18] =	ssyncadd.s32 $0xFFFFEC00  }
0x3e: {  	[tilespmem:s24], [sflag:$0x3] =	stream.linear.gather [hbm4b:s31+s4], $0x1400, $0x38;
	[tilespmem:$0x1E800] =	vst v63  }
.Ltmp2:
0x3f: {  	_ = 	snop;
	(pc) =	sbr.rel @!p2 .LBB2_2-.Ltmp2, $4  }
0x40: {  	_ =	swait.ge [sflag:s18], $0x1400  }
0x41: {  	[sflag:s18] =	ssyncset.done $0x0  }
0x42: {  	p5 =	sle.u32 s7, $0x1;
	p3 =	por $0x0, $0x0;
	[sflag:s18] =	ssyncadd.s32 $0xFFFFEC00  }
0x43: {  	[tilespmem:s19], [sflag:$0x1] =	stream.indirect.gather [hbm4b:s1+s21], $0x80, s4, s21, $0xb8;
	[tilespmem:$0x1E800] =	vst v63  }
0x44: {  	s26 =	simm.s32 @!p5 $0x80;
	s30 =	simm.s32 @!p5 $0x6800;
	p2 =	por p5, p5  }
0x45: {  	[tilespmem:s30], [sflag:$0x2] =	stream.indirect.gather @!p2 [hbm4b:s1+s26], $0x80, s21, s26, $0xb8;
	[tilespmem:$0x1E800] =	vst v63  }
0x46: {  	_ =	swait.ge [sflag:s20], $0x4000  }
0x47: {  	[sflag:s20] =	ssyncset.done $0x0  }
0x48: {  	[sflag:s20] =	ssyncadd.s32 $0xFFFFC000  }
0x49: {  	[spmem:s2] =	stream.indirect.scatter.add.f32 [tilespmem:s19], [sflag:$0x4], $0x80, s24, s21, $0xb8;
	[tilespmem:$0x1E800] =	vst v63  }
0x4a: {  	p3 =	sle.u32 s7, $0x2;
	_ =	swait.ge [sflag:s22], $0x4000  }
0x4b: {  	s28 =	simm.s32 @!p3 $0x80;
	[sflag:s22] =	ssyncset.done $0x0  }
0x4c: {  	s29 =	simm.s32 @!p3 $0x2800;
	s24 =	simm.s32 @!p3 $0x100;
	[sflag:s22] =	ssyncadd.s32 $0xFFFFC000  }
0x4d: {  	[tilespmem:s29], [sflag:$0x1] =	stream.indirect.gather @!p3 [hbm4b:s1+s28], $0x80, s24, s28, $0xb8;
	[tilespmem:$0x1E800] =	vst v63  }
0x4e: {  	s28 =	sadd.s32 $0xFFFFFC00, s25  }
0x4f: {  	s31 =	simm.s32 @!p2 $0x2;
	p4 =	sne.s32 s28, $0x0  }
.Ltmp3:
0x50: {  	p5 =	sle.u32 s7, $0x3;
	_ =	swait.ge @!p2 [sflag:s31], $0x4000;
	(pc) =	sbr.rel @!p4 .LBB2_5-.Ltmp3, $4  }
0x51: {  	s24 =	simm.s32 @!p2 $0x1480;
	s29 =	simm.s32 @!p2 $0x3;
	[sflag:s31] =	ssyncset.done @!p2 $0x0  }
0x52: {  	s25 =	simm.s32 $0x180;
	p3 =	por $0x1, $0x1;
	[sflag:s31] =	ssyncadd.s32 @!p2 $0xFFFFC000  }
0x53: {  	[spmem:s2] =	stream.indirect.scatter.add.f32 @!p2 [tilespmem:s30], [sflag:$0x3], $0x80, s24, s26, $0xb8;
	[tilespmem:$0x1E800] =	vst v63  }
0x54: {  	s26 =	simm.s32 $0x3;
	s24 =	simm.s32 $0x1500;
	_ =	swait.ge @!p2 [sflag:s29], $0x4000  }
.LBB2_4:
0x55: {  	s30 =	simm.s32 @!p5 $0x80;
	s31 =	simm.s32 @!p5 $0x6800;
	[sflag:s29] =	ssyncset.done @!p2 $0x0  }
0x56: {  	s28 =	sadd.s32 $0xFFFFFC00, s28;
	[sflag:s29] =	ssyncadd.s32 @!p2 $0xFFFFC000;
	p2 =	por p5, p5  }
0x57: {  	[tilespmem:s31], [sflag:$0x2] =	stream.indirect.gather @!p2 [hbm4b:s1+s30], $0x80, s25, s30, $0xb8;
	[tilespmem:$0x1E800] =	vst v63  }
0x58: {  	p4 =	sne.s32 s28, $0x0;
	_ =	swait.ge [sflag:s20], $0x4000  }
0x59: {  	[sflag:s20] =	ssyncset.done $0x0  }
0x5a: {  	s29 =	sadd.s32 $0x1, s26;
	[sflag:s20] =	ssyncadd.s32 $0xFFFFC000  }
0x5b: {  	[spmem:s2] =	stream.indirect.scatter.add.f32 [tilespmem:s19], [sflag:$0x4], $0x80, s24, s21, $0xb8;
	[tilespmem:$0x1E800] =	vst v63  }
0x5c: {  	p5 =	sge.u32 s29, s7;
	_ =	swait.ge [sflag:s22], $0x4000  }
0x5d: {  	s0 =	simm.s32 @!p2 $0x2;
	s29 =	sadd.s32 @!p5 $0x80, s25;
	[sflag:s22] =	ssyncset.done $0x0  }
0x5e: {  	s3 =	simm.s32 @!p5 $0x80;
	s5 =	simm.s32 @!p5 $0x2800;
	[sflag:s22] =	ssyncadd.s32 $0xFFFFC000  }
0x5f: {  	[tilespmem:s5], [sflag:$0x1] =	stream.indirect.gather @!p5 [hbm4b:s1+s3], $0x80, s29, s3, $0xb8;
	[tilespmem:$0x1E800] =	vst v63  }
.Ltmp4:
0x60: {  	_ =	swait.ge @!p2 [sflag:s0], $0x4000;
	(pc) =	sbr.rel @p4 .LBB2_4-.Ltmp4, $4  }
0x61: {  	s3 =	sadd.s32 @!p2 $0x80, s24;
	s29 =	simm.s32 @!p2 $0x3;
	[sflag:s0] =	ssyncset.done @!p2 $0x0  }
0x62: {  	s26 =	sadd.s32 $0x2, s26;
	s25 =	sadd.s32 $0x100, s25;
	[sflag:s0] =	ssyncadd.s32 @!p2 $0xFFFFC000  }
0x63: {  	[spmem:s2] =	stream.indirect.scatter.add.f32 @!p2 [tilespmem:s31], [sflag:$0x3], $0x80, s3, s30, $0xb8;
	[tilespmem:$0x1E800] =	vst v63  }
0x64: {  	p5 =	sge.u32 s26, s7;
	s24 =	sadd.s32 $0x100, s24;
	_ =	swait.ge @!p2 [sflag:s29], $0x4000  }
.LBB2_5:
0x65: {  	p2 =	por p2, !p3  }
0x66: {  	s0 =	simm.s32 @!p5 $0x80;
	[sflag:s29] =	ssyncset.done @!p2 $0x0  }
0x67: {  	s3 =	simm.s32 @!p5 $0x6800;
	[sflag:s29] =	ssyncadd.s32 @!p2 $0xFFFFC000;
	p2 =	por p5, p5  }
0x68: {  	[tilespmem:s3], [sflag:$0x2] =	stream.indirect.gather @!p2 [hbm4b:s1+s0], $0x80, s25, s0, $0xb8;
	[tilespmem:$0x1E800] =	vst v63  }
0x69: {  	_ =	swait.ge [sflag:s20], $0x4000  }
0x6a: {  	[sflag:s20] =	ssyncset.done $0x0  }
0x6b: {  	s5 =	sadd.s32 $0x1, s26;
	[sflag:s20] =	ssyncadd.s32 $0xFFFFC000  }
0x6c: {  	[spmem:s2] =	stream.indirect.scatter.add.f32 [tilespmem:s19], [sflag:$0x4], $0x80, s24, s21, $0xb8;
	[tilespmem:$0x1E800] =	vst v63  }
0x6d: {  	p3 =	sge.u32 s5, s7;
	_ =	swait.ge [sflag:s22], $0x4000  }
0x6e: {  	s5 =	sadd.s32 @!p3 $0x80, s25;
	s26 =	simm.s32 @!p3 $0x80;
	[sflag:s22] =	ssyncset.done $0x0  }
0x6f: {  	s28 =	simm.s32 @!p3 $0x2800;
	s25 =	simm.s32 @!p2 $0x2;
	[sflag:s22] =	ssyncadd.s32 $0xFFFFC000  }
0x70: {  	[tilespmem:s28], [sflag:$0x1] =	stream.indirect.gather @!p3 [hbm4b:s1+s26], $0x80, s5, s26, $0xb8;
	[tilespmem:$0x1E800] =	vst v63  }
0x71: {  	_ =	swait.ge @!p2 [sflag:s25], $0x4000  }
0x72: {  	[sflag:s25] =	ssyncset.done @!p2 $0x0  }
0x73: {  	s5 =	sadd.s32 @!p2 $0x80, s24;
	s24 =	simm.s32 @!p2 $0x3;
	[sflag:s25] =	ssyncadd.s32 @!p2 $0xFFFFC000  }
0x74: {  	[spmem:s2] =	stream.indirect.scatter.add.f32 @!p2 [tilespmem:s3], [sflag:$0x3], $0x80, s5, s0, $0xb8;
	[tilespmem:$0x1E800] =	vst v63  }
0x75: {  	_ =	swait.ge @!p2 [sflag:s24], $0x4000  }
0x76: {  	[sflag:s24] =	ssyncset.done @!p2 $0x0  }
0x77: {  	s0 =	simm.s32 @!p0 $0x0;
	s3 =	simm.s32 @!p0 $0x3;
	[sflag:s24] =	ssyncadd.s32 @!p2 $0xFFFFC000  }
0x78: {  	[tilespmem:s0], [sflag:$0x3] =	stream.linear.gather @!p0 [hbm4b:s11+s0], $0x1400, $0x38;
	[tilespmem:$0x1E800] =	vst v63  }
0x79: {  	_ =	swait.ge @!p0 [sflag:s3], $0x1400  }
0x7a: {  	[sflag:s3] =	ssyncset.done @!p0 $0x0  }
0x7b: {  	s24 =	simm.s32 @!p0 $0x1400;
	[sflag:s3] =	ssyncadd.s32 @!p0 $0xFFFFEC00  }
0x7c: {  	[tilespmem:s24], [sflag:$0x3] =	stream.linear.gather @!p0 [hbm4b:s12+s0], $0x1400, $0x38;
	[tilespmem:$0x1E800] =	vst v63  }
.Ltmp5:
0x7d: {  	_ = 	snop;
	(pc) =	sbr.rel @p1 .LBB2_11-.Ltmp5, $4  }
0x7e: {  	_ =	swait.ge @!p0 [sflag:s3], $0x1400  }
0x7f: {  	[sflag:s3] =	ssyncset.done @!p0 $0x0  }
0x80: {  	s25 =	simm.s32 @!p0 $0x80;
	[sflag:s3] =	ssyncadd.s32 @!p0 $0xFFFFEC00;
	s3 =	simm.s32 @!p0 $0x2800  }
0x81: {  	[tilespmem:s3], [sflag:$0x1] =	stream.indirect.gather @!p0 [hbm4b:s1+s25], $0x80, s0, s25, $0xb8;
	[tilespmem:$0x1E800] =	vst v63  }
0x82: {  	p2 =	sne.s32 s16, $0x2  }
.Ltmp6:
0x83: {  	_ = 	snop;
	(pc) =	sbr.rel @!p2 .LBB2_7-.Ltmp6, $2  }
0x84: {  	_ =	sdelay $0x2  }
0x85: {  	s26 =	simm.s32 $0x2;
	p4 =	sle.u32 s10, $0x1;
	p3 =	por $0x0, $0x0  }
0x86: {  	s0 =	simm.s32 @!p4 $0x80;
	s3 =	simm.s32 @!p4 $0x6800  }
0x87: {  	[tilespmem:s3], [sflag:$0x2] =	stream.indirect.gather @!p4 [hbm4b:s1+s0], $0x80, s25, s0, $0xb8;
	[tilespmem:$0x1E800] =	vst v63  }
0x88: {  	_ =	swait.ge [sflag:s20], $0x4000  }
0x89: {  	[sflag:s20] =	ssyncset.done $0x0  }
0x8a: {  	p2 =	por p4, p4;
	p3 =	sle.u32 s10, $0x2;
	[sflag:s20] =	ssyncadd.s32 $0xFFFFC000  }
0x8b: {  	[spmem:s2] =	stream.indirect.scatter.add.f32 [tilespmem:s19], [sflag:$0x4], $0x80, s24, s21, $0xb8;
	[tilespmem:$0x1E800] =	vst v63  }
0x8c: {  	p5 =	sne.s32 s16, $0x4;
	s28 =	simm.s32 $0x4;
	_ =	swait.ge [sflag:s22], $0x4000  }
0x8d: {  	s5 =	simm.s32 @!p3 $0x100;
	s25 =	simm.s32 @!p3 $0x80;
	[sflag:s22] =	ssyncset.done $0x0  }
0x8e: {  	s26 =	simm.s32 @!p3 $0x2800;
	s24 =	simm.s32 @!p2 $0x2;
	[sflag:s22] =	ssyncadd.s32 $0xFFFFC000  }
0x8f: {  	[tilespmem:s26], [sflag:$0x1] =	stream.indirect.gather @!p3 [hbm4b:s1+s25], $0x80, s5, s25, $0xb8;
	[tilespmem:$0x1E800] =	vst v63  }
.Ltmp7:
0x90: {  	s29 =	simm.s32 @!p2 $0x3;
	_ =	swait.ge @!p2 [sflag:s24], $0x4000;
	(pc) =	sbr.rel @!p5 .LBB2_10-.Ltmp7, $4  }
0x91: {  	p4 =	sle.u32 s10, $0x3;
	s26 =	simm.s32 $0x4;
	[sflag:s24] =	ssyncset.done @!p2 $0x0  }
0x92: {  	s5 =	simm.s32 @!p2 $0x1480;
	s25 =	simm.s32 $0x180;
	[sflag:s24] =	ssyncadd.s32 @!p2 $0xFFFFC000  }
0x93: {  	[spmem:s2] =	stream.indirect.scatter.add.f32 @!p2 [tilespmem:s3], [sflag:$0x3], $0x80, s5, s0, $0xb8;
	[tilespmem:$0x1E800] =	vst v63  }
0x94: {  	p3 =	por $0x1, $0x1;
	s24 =	simm.s32 $0x1500;
	_ =	swait.ge @!p2 [sflag:s29], $0x4000  }
.LBB2_9:
0x95: {  	s0 =	simm.s32 @!p4 $0x80;
	s3 =	simm.s32 @!p4 $0x6800;
	[sflag:s29] =	ssyncset.done @!p2 $0x0  }
0x96: {  	s5 =	smov.u32 s28;
	s28 =	sadd.s32 $0x2, s28;
	[sflag:s29] =	ssyncadd.s32 @!p2 $0xFFFFC000  }
0x97: {  	[tilespmem:s3], [sflag:$0x2] =	stream.indirect.gather @!p4 [hbm4b:s1+s0], $0x80, s25, s0, $0xb8;
	[tilespmem:$0x1E800] =	vst v63  }
0x98: {  	p5 =	sne.s32 s16, s28;
	p2 =	por p4, p4;
	_ =	swait.ge [sflag:s20], $0x4000  }
0x99: {  	[sflag:s20] =	ssyncset.done $0x0  }
0x9a: {  	[sflag:s20] =	ssyncadd.s32 $0xFFFFC000  }
0x9b: {  	[spmem:s2] =	stream.indirect.scatter.add.f32 [tilespmem:s19], [sflag:$0x4], $0x80, s24, s21, $0xb8;
	[tilespmem:$0x1E800] =	vst v63  }
0x9c: {  	p4 =	sge.u32 s26, s10;
	s26 =	smov.u32 s28;
	_ =	swait.ge [sflag:s22], $0x4000  }
0x9d: {  	s30 =	simm.s32 @!p2 $0x2;
	s29 =	sadd.s32 @!p4 $0x80, s25;
	[sflag:s22] =	ssyncset.done $0x0  }
0x9e: {  	s31 =	simm.s32 @!p4 $0x80;
	s9 =	simm.s32 @!p4 $0x2800;
	[sflag:s22] =	ssyncadd.s32 $0xFFFFC000  }
0x9f: {  	[tilespmem:s9], [sflag:$0x1] =	stream.indirect.gather @!p4 [hbm4b:s1+s31], $0x80, s29, s31, $0xb8;
	[tilespmem:$0x1E800] =	vst v63  }
.Ltmp8:
0xa0: {  	_ =	swait.ge @!p2 [sflag:s30], $0x4000;
	(pc) =	sbr.rel @p5 .LBB2_9-.Ltmp8, $4  }
0xa1: {  	s9 =	sadd.s32 @!p2 $0x80, s24;
	s29 =	simm.s32 @!p2 $0x3;
	[sflag:s30] =	ssyncset.done @!p2 $0x0  }
0xa2: {  	s5 =	sadd.s32 $0x1, s5;
	s25 =	sadd.s32 $0x100, s25;
	[sflag:s30] =	ssyncadd.s32 @!p2 $0xFFFFC000  }
0xa3: {  	[spmem:s2] =	stream.indirect.scatter.add.f32 @!p2 [tilespmem:s3], [sflag:$0x3], $0x80, s9, s0, $0xb8;
	[tilespmem:$0x1E800] =	vst v63  }
0xa4: {  	p4 =	sge.u32 s5, s10;
	s24 =	sadd.s32 $0x100, s24;
	_ =	swait.ge @!p2 [sflag:s29], $0x4000  }
.Ltmp9:
0xa5: {  	_ = 	snop;
	(pc) =	sbr.rel .LBB2_10-.Ltmp9, $1  }
0xa6: {  	_ =	sdelay $0x3  }
.LBB2_2:
.Ltmp10:
0xa7: {  	(pc) =	sbr.rel .LBB2_5-.Ltmp10, $2  }
0xa8: {  	_ =	sdelay $0x2  }
0xa9: {  	s25 =	simm.s32 $0x80;
	s26 =	simm.s32 $0x1  }
.LBB2_12:
0xaa: {  	_ =	sfence.sel $0x180000  }
0xab: {  	[bflag:$0x0] =	sbarrier.arrive $0xFFFF  }
0xac: {  	_ =	strace $0x90000047  }
0xad: {  	s0 =	stileid.u32;
	[bflag:$0x2] =	sbarrier.arrive $0xFFFF  }
0xae: {  	p0 =	sne.s32 s0, $0x0;
	s0 =	rddreg [dreg:$0x4]  }
0xaf: {  	s0 =	sadd.s32 @!p0 $0x100000, s0  }
0xb0: {  	[sflag:s0] =	ssyncadd.tile.s32 @!p0 $0x1;
	_ =	shalt  }
.Lfunc_end2:
_tile_overlayer_lowered:
.L_overlay_start_2:
0xb1: {  	(tag) =	ssettag $0x2  }
0xb2: {  	s0 =	rddreg [dreg:$0x0];
	s2 =	stileid.u32  }
0xb3: {  	s1 =	rddreg [dreg:$0x1];
	p0 =	sne.s32 s2, $0x0  }
0xb4: {  	s3 =	rddreg [dreg:$0x2];
	[bflag:$0x3] =	sbarrier.arrive $0xFFFF;
	s2 =	simm.s32 @!p0 $0x1C03  }
0xb5: {  	[timem:s3], [sflag:s2] =	dma.local @!p0 [hbm:s0], s1  }
0xb6: {  	s0 =	simm.s32 @!p0 $0x3  }
0xb7: {  	_ =	swait.ge @!p0 [sflag:s0], s1  }
0xb8: {  	s1 =	ssub.s32 @!p0 $0x0, s1;
	[sflag:s0] =	ssyncset.done @!p0 $0x0  }
0xb9: {  	[sflag:s0] =	ssyncadd.s32 @!p0 s1  }
0xba: {  	[bflag:$0x3] =	sbarrier.arrive $0xFFFF  }
0xbb: {  	_ =	shalt  }

</sc_bundles>
